<compile_context>
chip_gen: v7x
topology: tpu7x:2x2x1
jax: 0.10.2.dev20260603
libtpu: 0.0.44.dev20260713+nightly
codegen_flags: <defaults>
</compile_context>

<pallas_src>
import functools

import jax
import jax.numpy as jnp
from jax import lax
from jax.experimental import pallas as pl
from jax.experimental.pallas import tpu as pltpu
from jax.experimental.pallas import tpu_sc as plsc

LENGTHS = (8, 16, 32, 64, 128, 256)
MIN_SCORE = 0.1
K = 1000
B, T = 64, 8192
G = len(LENGTHS)
C = G * T
BITS_MIN = 1036831949
BITS_ONE = 1065353216
ROW_BLK = 8
CPAD = 1024
PAD_VIDX = 1 << 20


def _score_threshold_body(sp_ref, ep_ref, keys_ref, thr_ref):
    sp = sp_ref[...]
    ep = ep_ref[...]
    parts = []
    for g, length in enumerate(LENGTHS):
        w = T - length + 1
        sc = jnp.sqrt(sp[:, :w] * ep[:, length - 1:])
        kb = lax.bitcast_convert_type(sc, jnp.int32)
        kb = jnp.where(sc >= MIN_SCORE, kb, 0)
        parts.append(kb)
        parts.append(jnp.zeros((ROW_BLK, length - 1), jnp.int32))
    keys = jnp.concatenate(parts, axis=1)
    keys_ref[...] = keys

    def bs_cond(st):
        t, lo, hi, vsel, done = st
        return jnp.logical_and(t < 26, jnp.sum(done) < ROW_BLK)

    def bs_step(st):
        t, lo, hi, vsel, done = st
        mid = (lo + hi) >> 1
        cnt = jnp.sum((keys > mid).astype(jnp.int32), axis=1, keepdims=True)
        small = cnt < K
        doneb = done > 0
        in_win = (cnt >= K) & (cnt <= CPAD) & jnp.logical_not(doneb)
        frozen = doneb | in_win
        lo = jnp.where(frozen, lo, jnp.where(small, lo, mid + 1))
        hi = jnp.where(frozen, hi, jnp.where(small, mid, hi))
        vsel = jnp.where(in_win, mid + 1, vsel)
        conv = (lo >= hi) & jnp.logical_not(frozen)
        vsel = jnp.where(conv, hi, vsel)
        done = jnp.where(in_win | conv, 1, done)
        return t + 1, lo, hi, vsel, done

    lo0 = jnp.full((ROW_BLK, 1), BITS_MIN - 1, jnp.int32)
    hi0 = jnp.full((ROW_BLK, 1), BITS_ONE, jnp.int32)
    done0 = jnp.zeros((ROW_BLK, 1), jnp.int32)
    _, _, hi_f, vsel_f, done_f = lax.while_loop(
        bs_cond, bs_step, (jnp.int32(0), lo0, hi0, hi0, done0))
    thr = jnp.where(done_f > 0, vsel_f, hi_f)
    thr_ref[...] = jnp.broadcast_to(thr, (ROW_BLK, 16))


def _score_threshold(sp, ep):
    return pl.pallas_call(
        _score_threshold_body,
        grid=(B // ROW_BLK,),
        in_specs=[
            pl.BlockSpec((ROW_BLK, T), lambda r: (r, 0)),
            pl.BlockSpec((ROW_BLK, T), lambda r: (r, 0)),
        ],
        out_specs=[
            pl.BlockSpec((ROW_BLK, C), lambda r: (r, 0)),
            pl.BlockSpec((ROW_BLK, 16), lambda r: (r, 0)),
        ],
        out_shape=[
            jax.ShapeDtypeStruct((B, C), jnp.int32),
            jax.ShapeDtypeStruct((B, 16), jnp.int32),
        ],
        compiler_params=pltpu.CompilerParams(
            dimension_semantics=("parallel",)),
    )(sp, ep)


ROWS_PER_TILE = 2


def _compact_body(keys_hbm, thr_hbm, ovidx_hbm, okey_hbm,
                  keys_v, cvidx_v, ckey_v, thr_v):
    nc = 2
    wid = lax.axis_index("s") * nc + lax.axis_index("c")
    iota16 = lax.broadcasted_iota(jnp.int32, (16,), 0)
    for rr in range(ROWS_PER_TILE):
        row = wid * ROWS_PER_TILE + rr
        pltpu.sync_copy(keys_hbm.at[row], keys_v)
        pltpu.sync_copy(thr_hbm.at[row], thr_v)
        vthr = thr_v[...]

        @plsc.parallel_loop(0, CPAD // 16, unroll=4)
        def init_step(j):
            cvidx_v[pl.ds(j * 16, 16)] = PAD_VIDX + j * 16 + iota16
            ckey_v[pl.ds(j * 16, 16)] = jnp.zeros((16,), jnp.int32)

        @plsc.parallel_loop(0, C // 16, unroll=8,
                            carry=jnp.zeros((16,), jnp.int32))
        def scan_step(i, off):
            k = keys_v[pl.ds(i * 16, 16)]
            m = k >= vthr
            pc = plsc.cumsum(jnp.where(m, 1, 0))
            pos = off + pc - 1
            em = m & (pos < CPAD)
            plsc.store_scatter(cvidx_v, [pos], i * 16 + iota16, mask=em)
            plsc.store_scatter(ckey_v, [pos], k, mask=em)
            return off + plsc.all_reduce_population_count(m)

        pltpu.sync_copy(cvidx_v, ovidx_hbm.at[row])
        pltpu.sync_copy(ckey_v, okey_hbm.at[row])


@functools.lru_cache(maxsize=1)
def _make_compact():
    return pl.kernel(
        _compact_body,
        out_type=(jax.ShapeDtypeStruct((B, CPAD), jnp.int32),
                  jax.ShapeDtypeStruct((B, CPAD), jnp.int32)),
        mesh=plsc.VectorSubcoreMesh(core_axis_name="c", subcore_axis_name="s"),
        scratch_types=[
            pltpu.VMEM((C,), jnp.int32),
            pltpu.VMEM((CPAD,), jnp.int32),
            pltpu.VMEM((CPAD,), jnp.int32),
            pltpu.VMEM((16,), jnp.int32),
        ],
        compiler_params=pltpu.CompilerParams(needs_layout_passes=False),
    )


RB3 = 4


def _rank_vals_body(vidx_ref, key_ref, keyT_ref, rank_ref, vals_ref):
    tri = (lax.broadcasted_iota(jnp.int32, (CPAD, CPAD), 1)
           < lax.broadcasted_iota(jnp.int32, (CPAD, CPAD), 0))
    for rr in range(RB3):
        kj = key_ref[rr]
        vj = vidx_ref[rr]
        ki = keyT_ref[rr]
        beats = (kj > ki) | ((kj == ki) & tri)
        rank = jnp.sum(beats.astype(jnp.int32), axis=1, keepdims=True)
        rank_ref[rr] = rank
        g = jnp.minimum(lax.shift_right_logical(vj, 13), 5)
        length = jnp.left_shift(jnp.int32(8), g)
        s = jnp.bitwise_and(vj, T - 1)
        valid = kj >= BITS_MIN
        sf = jnp.where(valid, s.astype(jnp.float32), 0.0)
        ef = jnp.where(valid, (s + length).astype(jnp.float32), float(T))
        scf = jnp.where(valid, lax.bitcast_convert_type(kj, jnp.float32), 0.0)
        vals_ref[rr] = jnp.concatenate([sf, ef, scf], axis=0)


def _rank_vals(cvidx, ckey, ckey_t):
    return pl.pallas_call(
        _rank_vals_body,
        grid=(B // RB3,),
        in_specs=[
            pl.BlockSpec((RB3, 1, CPAD), lambda r: (r, 0, 0)),
            pl.BlockSpec((RB3, 1, CPAD), lambda r: (r, 0, 0)),
            pl.BlockSpec((RB3, CPAD, 1), lambda r: (r, 0, 0)),
        ],
        out_specs=[
            pl.BlockSpec((RB3, CPAD, 1), lambda r: (r, 0, 0)),
            pl.BlockSpec((RB3, 3, CPAD), lambda r: (r, 0, 0)),
        ],
        out_shape=[
            jax.ShapeDtypeStruct((B, CPAD, 1), jnp.int32),
            jax.ShapeDtypeStruct((B, 3, CPAD), jnp.float32),
        ],
        compiler_params=pltpu.CompilerParams(
            dimension_semantics=("parallel",)),
    )(cvidx[:, None, :], ckey[:, None, :], ckey_t)


def _permute_body(rank_hbm, vals_hbm, out_hbm, rank_v, vals_v, out_v):
    nc = 2
    wid = lax.axis_index("s") * nc + lax.axis_index("c")
    iota16 = lax.broadcasted_iota(jnp.int32, (16,), 0)
    del iota16
    for rr in range(ROWS_PER_TILE):
        row = wid * ROWS_PER_TILE + rr
        pltpu.sync_copy(rank_hbm.at[row], rank_v)
        pltpu.sync_copy(vals_hbm.at[row], vals_v)

        @plsc.parallel_loop(0, CPAD // 16, unroll=4)
        def step(i):
            r = rank_v[pl.ds(i * 16, 16)]
            r3 = r * 3
            em = r < K
            for c in range(3):
                x = vals_v[c, pl.ds(i * 16, 16)]
                plsc.store_scatter(out_v, [r3 + c], x, mask=em)

        pltpu.sync_copy(out_v, out_hbm.at[row])


@functools.lru_cache(maxsize=1)
def _make_permute():
    return pl.kernel(
        _permute_body,
        out_type=jax.ShapeDtypeStruct((B, K * 3), jnp.float32),
        mesh=plsc.VectorSubcoreMesh(core_axis_name="c", subcore_axis_name="s"),
        scratch_types=[
            pltpu.VMEM((CPAD,), jnp.int32),
            pltpu.VMEM((3, CPAD), jnp.float32),
            pltpu.VMEM((K * 3,), jnp.float32),
        ],
        compiler_params=pltpu.CompilerParams(needs_layout_passes=False),
    )


def kernel(start_probs, end_probs):
    sp = start_probs[:, 0, :]
    ep = end_probs[:, 0, :]
    keys, thr = _score_threshold(sp, ep)
    cvidx, ckey = _make_compact()(keys, thr)
    rank, vals = _rank_vals(cvidx, ckey, ckey[:, :, None])
    out = _make_permute()(rank[:, :, 0], vals)
    return out.reshape(B, K, 3)

# --- scband reference (transcript-rebuilt; emitter-appended) ---
"""Pipeline reference for scband-proposal-generator-88545045774628 (READ-ONLY COPY).

The authoritative reference and input builder live on the scoring server;
editing this copy changes nothing except your own understanding.
"""

import jax, jax.numpy as jnp
import numpy as np

LENGTHS = (8, 16, 32, 64, 128, 256)
MIN_SCORE = 0.1
MAX_PROPOSALS = 1000
B, T = 64, 8192


def setup_inputs(seed: int = 0) -> dict:
    key = jax.random.key(seed)
    k1, k2 = jax.random.split(key)
    start_probs = jax.random.uniform(k1, (B, 1, T), dtype=jnp.float32)
    end_probs = jax.random.uniform(k2, (B, 1, T), dtype=jnp.float32)
    return {"start_probs": start_probs, "end_probs": end_probs}


def _forward(start_probs, end_probs):
    # start_probs, end_probs: (B, 1, T)
    sp = start_probs[:, 0, :]  # (B, T)
    ep = end_probs[:, 0, :]    # (B, T)
    Tn = sp.shape[1]
    score_chunks = []
    cand_s_chunks = []
    cand_e_chunks = []
    # Candidate enumeration order matches the torch loops: length-major, start ascending.
    for L in LENGTHS:
        s_idx = jnp.arange(Tn - L + 1)
        e_idx = s_idx + L
        sc = jnp.sqrt(sp[:, s_idx] * ep[:, e_idx - 1])  # (B, Tn-L+1)
        score_chunks.append(sc)
        cand_s_chunks.append(s_idx.astype(jnp.float32))
        cand_e_chunks.append(e_idx.astype(jnp.float32))
    scores = jnp.concatenate(score_chunks, axis=1)   # (B, C)
    cand_s = jnp.concatenate(cand_s_chunks)          # (C,)
    cand_e = jnp.concatenate(cand_e_chunks)          # (C,)
    # Filter by min_score (invalid -> -1 so they rank last), then descending top-k.
    masked = jnp.where(scores >= MIN_SCORE, scores, -1.0)
    top_vals, top_idx = jax.lax.top_k(masked, MAX_PROPOSALS)  # stable tie-break = lowest index, same as python stable sort
    g_score = jnp.take_along_axis(scores, top_idx, axis=1)    # differentiable gather of true scores
    g_s = cand_s[top_idx]
    g_e = cand_e[top_idx]
    valid = top_vals >= MIN_SCORE
    # Entries that failed the min_score filter are padded with the torch fallback row [0, T, 0.0].
    out_s = jnp.where(valid, g_s, 0.0)
    out_e = jnp.where(valid, g_e, float(Tn))
    out_sc = jnp.where(valid, g_score, 0.0)
    return jnp.stack([out_s, out_e, out_sc], axis=-1)  # (B, MAX_PROPOSALS, 3)


def reference(start_probs, end_probs):
    return _forward(start_probs, end_probs)

if __name__ == "__main__":
    import jax
    _d = setup_inputs()
    print(jax.jit(kernel)(*tuple(_d.values())))

</pallas_src>

<mosaic_0001>
#map = affine_map<(d0, d1) -> (0, 0)>
#map1 = affine_map<(d0, d1) -> (0, 0, 0)>
module attributes {stable_mosaic.version = 14 : i64} {
  func.func @_permute_body(%arg0: i32, %arg1: i32, %arg2: memref<64x1024xi32, #tpu.memory_space<hbm>>, %arg3: memref<64x3x1024xf32, #tpu.memory_space<hbm>>, %arg4: memref<64x3000xf32, #tpu.memory_space<hbm>>, %arg5: memref<1024xi32, #tpu.memory_space<vmem>>, %arg6: memref<3x1024xf32, #tpu.memory_space<vmem>>, %arg7: memref<3000xf32, #tpu.memory_space<vmem>>) attributes {dimension_semantics = [#tpu.dimension_semantics<core_parallel>, #tpu.dimension_semantics<subcore_parallel>], iteration_bounds = array<i64: 2, 16>, scalar_prefetch = 0 : i64, scratch_operands = 3 : i64, tpu.core_type = #tpu.core_type<sc_vector_subcore>, window_params = [{transform_indices = #map}, {transform_indices = #map1}, {transform_indices = #map}]} {
    %mul3A = arith.constant 2 : i32
    %mul3A_0 = arith.muli %arg1, %mul3A : i32
    %add3A = arith.addi %mul3A_0, %arg0 : i32
    %iota3A = tpu.iota {dimensions = array<i32: 0>} : vector<16xi32>
    %mul3A_1 = arith.constant 2 : i32
    %mul3A_2 = arith.muli %add3A, %mul3A_1 : i32
    %add3A_3 = arith.constant 0 : i32
    %add3A_4 = arith.addi %mul3A_2, %add3A_3 : i32
    "tpu.region"() ({
      %run_scoped3A = tpu.sem_alloc : memref<!tpu.dma_semaphore, #tpu.memory_space<semaphore_mem>>
      %dma_start3A = arith.constant 0 : i32
      %dma_start3A_14 = tpu.memref_slice %arg2[%add3A_4, %dma_start3A] : memref<64x1024xi32, #tpu.memory_space<hbm>> -> memref<1x1024xi32, #tpu.memory_space<hbm>>
      %dma_start3A_15 = tpu.memref_squeeze %dma_start3A_14 : memref<1x1024xi32, #tpu.memory_space<hbm>> -> memref<1024xi32, #tpu.memory_space<hbm>>
      %dma_start3A_16 = arith.constant 0 : i32
      %dma_start3A_17 = tpu.memref_slice %arg2[%add3A_4, %dma_start3A_16] : memref<64x1024xi32, #tpu.memory_space<hbm>> -> memref<1x1024xi32, #tpu.memory_space<hbm>>
      %dma_start3A_18 = tpu.memref_squeeze %dma_start3A_17 : memref<1x1024xi32, #tpu.memory_space<hbm>> -> memref<1024xi32, #tpu.memory_space<hbm>>
      tpu.enqueue_dma source(%dma_start3A_18 : memref<1024xi32, #tpu.memory_space<hbm>>) target(%arg5 : memref<1024xi32, #tpu.memory_space<vmem>>) target_semaphore(%run_scoped3A : memref<!tpu.dma_semaphore, #tpu.memory_space<semaphore_mem>>)
      %dma_wait3A = arith.constant 0 : i32
      %dma_wait3A_19 = tpu.memref_slice %arg2[%add3A_4, %dma_wait3A] : memref<64x1024xi32, #tpu.memory_space<hbm>> -> memref<1x1024xi32, #tpu.memory_space<hbm>>
      %dma_wait3A_20 = tpu.memref_squeeze %dma_wait3A_19 : memref<1x1024xi32, #tpu.memory_space<hbm>> -> memref<1024xi32, #tpu.memory_space<hbm>>
      %dma_wait3A_21 = arith.constant 0 : i32
      %dma_wait3A_22 = tpu.memref_slice %arg2[%add3A_4, %dma_wait3A_21] : memref<64x1024xi32, #tpu.memory_space<hbm>> -> memref<1x1024xi32, #tpu.memory_space<hbm>>
      %dma_wait3A_23 = tpu.memref_squeeze %dma_wait3A_22 : memref<1x1024xi32, #tpu.memory_space<hbm>> -> memref<1024xi32, #tpu.memory_space<hbm>>
      tpu.wait_dma2 semaphore(%run_scoped3A : memref<!tpu.dma_semaphore, #tpu.memory_space<semaphore_mem>>) src(%dma_wait3A_23 : memref<1024xi32, #tpu.memory_space<hbm>>) dst(%arg5 : memref<1024xi32, #tpu.memory_space<vmem>>)
      tpu.yield
    }) : () -> ()
    "tpu.region"() ({
      %run_scoped3A = tpu.sem_alloc : memref<!tpu.dma_semaphore, #tpu.memory_space<semaphore_mem>>
      %dma_start3A = arith.constant 0 : i32
      %dma_start3A_14 = arith.constant 0 : i32
      %dma_start3A_15 = tpu.memref_slice %arg3[%add3A_4, %dma_start3A, %dma_start3A_14] : memref<64x3x1024xf32, #tpu.memory_space<hbm>> -> memref<1x3x1024xf32, #tpu.memory_space<hbm>>
      %dma_start3A_16 = tpu.memref_squeeze %dma_start3A_15 : memref<1x3x1024xf32, #tpu.memory_space<hbm>> -> memref<3x1024xf32, #tpu.memory_space<hbm>>
      %dma_start3A_17 = arith.constant 0 : i32
      %dma_start3A_18 = arith.constant 0 : i32
      %dma_start3A_19 = tpu.memref_slice %arg3[%add3A_4, %dma_start3A_17, %dma_start3A_18] : memref<64x3x1024xf32, #tpu.memory_space<hbm>> -> memref<1x3x1024xf32, #tpu.memory_space<hbm>>
      %dma_start3A_20 = tpu.memref_squeeze %dma_start3A_19 : memref<1x3x1024xf32, #tpu.memory_space<hbm>> -> memref<3x1024xf32, #tpu.memory_space<hbm>>
      tpu.enqueue_dma source(%dma_start3A_20 : memref<3x1024xf32, #tpu.memory_space<hbm>>) target(%arg6 : memref<3x1024xf32, #tpu.memory_space<vmem>>) target_semaphore(%run_scoped3A : memref<!tpu.dma_semaphore, #tpu.memory_space<semaphore_mem>>)
      %dma_wait3A = arith.constant 0 : i32
      %dma_wait3A_21 = arith.constant 0 : i32
      %dma_wait3A_22 = tpu.memref_slice %arg3[%add3A_4, %dma_wait3A, %dma_wait3A_21] : memref<64x3x1024xf32, #tpu.memory_space<hbm>> -> memref<1x3x1024xf32, #tpu.memory_space<hbm>>
      %dma_wait3A_23 = tpu.memref_squeeze %dma_wait3A_22 : memref<1x3x1024xf32, #tpu.memory_space<hbm>> -> memref<3x1024xf32, #tpu.memory_space<hbm>>
      %dma_wait3A_24 = arith.constant 0 : i32
      %dma_wait3A_25 = arith.constant 0 : i32
      %dma_wait3A_26 = tpu.memref_slice %arg3[%add3A_4, %dma_wait3A_24, %dma_wait3A_25] : memref<64x3x1024xf32, #tpu.memory_space<hbm>> -> memref<1x3x1024xf32, #tpu.memory_space<hbm>>
      %dma_wait3A_27 = tpu.memref_squeeze %dma_wait3A_26 : memref<1x3x1024xf32, #tpu.memory_space<hbm>> -> memref<3x1024xf32, #tpu.memory_space<hbm>>
      tpu.wait_dma2 semaphore(%run_scoped3A : memref<!tpu.dma_semaphore, #tpu.memory_space<semaphore_mem>>) src(%dma_wait3A_27 : memref<3x1024xf32, #tpu.memory_space<hbm>>) dst(%arg6 : memref<3x1024xf32, #tpu.memory_space<vmem>>)
      tpu.yield
    }) : () -> ()
    %parallel_loop3A = arith.constant 0 : i32
    %parallel_loop3A_5 = arith.constant 64 : i32
    %parallel_loop3A_6 = arith.constant 1 : i32
    scf.for %parallel_loop3A_14 = %parallel_loop3A to %parallel_loop3A_5 step %parallel_loop3A_6  : i32 {
      %parallel_loop3A_15 = arith.constant 16 : i32
      %parallel_loop3A_16 = arith.muli %parallel_loop3A_14, %parallel_loop3A_15 : i32
      %parallel_loop3A_17 = arith.index_cast %parallel_loop3A_16 : i32 to index
      %parallel_loop3A_18 = tpu.vector_load %arg5[%parallel_loop3A_17] {strides = array<i32>} : memref<1024xi32, #tpu.memory_space<vmem>>, vector<16xi32>,
      %parallel_loop3A_19 = arith.constant 3 : i32
      %parallel_loop3A_20 = vector.broadcast %parallel_loop3A_19 : i32 to vector<16xi32>
      %parallel_loop3A_21 = arith.muli %parallel_loop3A_18, %parallel_loop3A_20 : vector<16xi32>
      %parallel_loop3A_22 = arith.constant 1000 : i32
      %parallel_loop3A_23 = vector.broadcast %parallel_loop3A_22 : i32 to vector<16xi32>
      %parallel_loop3A_24 = arith.cmpi slt, %parallel_loop3A_18, %parallel_loop3A_23 : vector<16xi32>
      %parallel_loop3A_25 = arith.constant 16 : i32
      %parallel_loop3A_26 = arith.muli %parallel_loop3A_14, %parallel_loop3A_25 : i32
      %parallel_loop3A_27 = arith.constant 0 : i32
      %parallel_loop3A_28 = arith.index_cast %parallel_loop3A_27 : i32 to index
      %parallel_loop3A_29 = arith.index_cast %parallel_loop3A_26 : i32 to index
      %parallel_loop3A_30 = tpu.vector_load %arg6[%parallel_loop3A_28, %parallel_loop3A_29] {strides = array<i32>} : memref<3x1024xf32, #tpu.memory_space<vmem>>, vector<16xf32>,
      %parallel_loop3A_31 = arith.constant 0 : i32
      %parallel_loop3A_32 = vector.broadcast %parallel_loop3A_31 : i32 to vector<16xi32>
      %parallel_loop3A_33 = arith.addi %parallel_loop3A_21, %parallel_loop3A_32 : vector<16xi32>
      tpu.vector_store_idx %arg7[%parallel_loop3A_33], %parallel_loop3A_30 masked %parallel_loop3A_24 : memref<3000xf32, #tpu.memory_space<vmem>>[vector<16xi32>], vector<16xf32>, vector<16xi1>
      %parallel_loop3A_34 = arith.constant 16 : i32
      %parallel_loop3A_35 = arith.muli %parallel_loop3A_14, %parallel_loop3A_34 : i32
      %parallel_loop3A_36 = arith.constant 1 : i32
      %parallel_loop3A_37 = arith.index_cast %parallel_loop3A_36 : i32 to index
      %parallel_loop3A_38 = arith.index_cast %parallel_loop3A_35 : i32 to index
      %parallel_loop3A_39 = tpu.vector_load %arg6[%parallel_loop3A_37, %parallel_loop3A_38] {strides = array<i32>} : memref<3x1024xf32, #tpu.memory_space<vmem>>, vector<16xf32>,
      %parallel_loop3A_40 = arith.constant 1 : i32
      %parallel_loop3A_41 = vector.broadcast %parallel_loop3A_40 : i32 to vector<16xi32>
      %parallel_loop3A_42 = arith.addi %parallel_loop3A_21, %parallel_loop3A_41 : vector<16xi32>
      tpu.vector_store_idx %arg7[%parallel_loop3A_42], %parallel_loop3A_39 masked %parallel_loop3A_24 : memref<3000xf32, #tpu.memory_space<vmem>>[vector<16xi32>], vector<16xf32>, vector<16xi1>
      %parallel_loop3A_43 = arith.constant 16 : i32
      %parallel_loop3A_44 = arith.muli %parallel_loop3A_14, %parallel_loop3A_43 : i32
      %parallel_loop3A_45 = arith.constant 2 : i32
      %parallel_loop3A_46 = arith.index_cast %parallel_loop3A_45 : i32 to index
      %parallel_loop3A_47 = arith.index_cast %parallel_loop3A_44 : i32 to index
      %parallel_loop3A_48 = tpu.vector_load %arg6[%parallel_loop3A_46, %parallel_loop3A_47] {strides = array<i32>} : memref<3x1024xf32, #tpu.memory_space<vmem>>, vector<16xf32>,
      %parallel_loop3A_49 = arith.constant 2 : i32
      %parallel_loop3A_50 = vector.broadcast %parallel_loop3A_49 : i32 to vector<16xi32>
      %parallel_loop3A_51 = arith.addi %parallel_loop3A_21, %parallel_loop3A_50 : vector<16xi32>
      tpu.vector_store_idx %arg7[%parallel_loop3A_51], %parallel_loop3A_48 masked %parallel_loop3A_24 : memref<3000xf32, #tpu.memory_space<vmem>>[vector<16xi32>], vector<16xf32>, vector<16xi1>
    } {sc.loop_unroll_factor = 4 : i64, sc.parallel_access}
    "tpu.region"() ({
      %run_scoped3A = tpu.sem_alloc : memref<!tpu.dma_semaphore, #tpu.memory_space<semaphore_mem>>
      %dma_start3A = arith.constant 0 : i32
      %dma_start3A_14 = tpu.memref_slice %arg4[%add3A_4, %dma_start3A] : memref<64x3000xf32, #tpu.memory_space<hbm>> -> memref<1x3000xf32, #tpu.memory_space<hbm>>
      %dma_start3A_15 = tpu.memref_squeeze %dma_start3A_14 : memref<1x3000xf32, #tpu.memory_space<hbm>> -> memref<3000xf32, #tpu.memory_space<hbm>>
      %dma_start3A_16 = arith.constant 0 : i32
      %dma_start3A_17 = tpu.memref_slice %arg4[%add3A_4, %dma_start3A_16] : memref<64x3000xf32, #tpu.memory_space<hbm>> -> memref<1x3000xf32, #tpu.memory_space<hbm>>
      %dma_start3A_18 = tpu.memref_squeeze %dma_start3A_17 : memref<1x3000xf32, #tpu.memory_space<hbm>> -> memref<3000xf32, #tpu.memory_space<hbm>>
      tpu.enqueue_dma source(%arg7 : memref<3000xf32, #tpu.memory_space<vmem>>) target(%dma_start3A_18 : memref<3000xf32, #tpu.memory_space<hbm>>) target_semaphore(%run_scoped3A : memref<!tpu.dma_semaphore, #tpu.memory_space<semaphore_mem>>)
      %dma_wait3A = arith.constant 0 : i32
      %dma_wait3A_19 = tpu.memref_slice %arg4[%add3A_4, %dma_wait3A] : memref<64x3000xf32, #tpu.memory_space<hbm>> -> memref<1x3000xf32, #tpu.memory_space<hbm>>
      %dma_wait3A_20 = tpu.memref_squeeze %dma_wait3A_19 : memref<1x3000xf32, #tpu.memory_space<hbm>> -> memref<3000xf32, #tpu.memory_space<hbm>>
      %dma_wait3A_21 = arith.constant 0 : i32
      %dma_wait3A_22 = tpu.memref_slice %arg4[%add3A_4, %dma_wait3A_21] : memref<64x3000xf32, #tpu.memory_space<hbm>> -> memref<1x3000xf32, #tpu.memory_space<hbm>>
      %dma_wait3A_23 = tpu.memref_squeeze %dma_wait3A_22 : memref<1x3000xf32, #tpu.memory_space<hbm>> -> memref<3000xf32, #tpu.memory_space<hbm>>
      tpu.wait_dma2 semaphore(%run_scoped3A : memref<!tpu.dma_semaphore, #tpu.memory_space<semaphore_mem>>) src(%arg7 : memref<3000xf32, #tpu.memory_space<vmem>>) dst(%dma_wait3A_23 : memref<3000xf32, #tpu.memory_space<hbm>>)
      tpu.yield
    }) : () -> ()
    %mul3A_7 = arith.constant 2 : i32
    %mul3A_8 = arith.muli %add3A, %mul3A_7 : i32
    %add3A_9 = arith.constant 1 : i32
    %add3A_10 = arith.addi %mul3A_8, %add3A_9 : i32
    "tpu.region"() ({
      %run_scoped3A = tpu.sem_alloc : memref<!tpu.dma_semaphore, #tpu.memory_space<semaphore_mem>>
      %dma_start3A = arith.constant 0 : i32
      %dma_start3A_14 = tpu.memref_slice %arg2[%add3A_10, %dma_start3A] : memref<64x1024xi32, #tpu.memory_space<hbm>> -> memref<1x1024xi32, #tpu.memory_space<hbm>>
      %dma_start3A_15 = tpu.memref_squeeze %dma_start3A_14 : memref<1x1024xi32, #tpu.memory_space<hbm>> -> memref<1024xi32, #tpu.memory_space<hbm>>
      %dma_start3A_16 = arith.constant 0 : i32
      %dma_start3A_17 = tpu.memref_slice %arg2[%add3A_10, %dma_start3A_16] : memref<64x1024xi32, #tpu.memory_space<hbm>> -> memref<1x1024xi32, #tpu.memory_space<hbm>>
      %dma_start3A_18 = tpu.memref_squeeze %dma_start3A_17 : memref<1x1024xi32, #tpu.memory_space<hbm>> -> memref<1024xi32, #tpu.memory_space<hbm>>
      tpu.enqueue_dma source(%dma_start3A_18 : memref<1024xi32, #tpu.memory_space<hbm>>) target(%arg5 : memref<1024xi32, #tpu.memory_space<vmem>>) target_semaphore(%run_scoped3A : memref<!tpu.dma_semaphore, #tpu.memory_space<semaphore_mem>>)
      %dma_wait3A = arith.constant 0 : i32
      %dma_wait3A_19 = tpu.memref_slice %arg2[%add3A_10, %dma_wait3A] : memref<64x1024xi32, #tpu.memory_space<hbm>> -> memref<1x1024xi32, #tpu.memory_space<hbm>>
      %dma_wait3A_20 = tpu.memref_squeeze %dma_wait3A_19 : memref<1x1024xi32, #tpu.memory_space<hbm>> -> memref<1024xi32, #tpu.memory_space<hbm>>
      %dma_wait3A_21 = arith.constant 0 : i32
      %dma_wait3A_22 = tpu.memref_slice %arg2[%add3A_10, %dma_wait3A_21] : memref<64x1024xi32, #tpu.memory_space<hbm>> -> memref<1x1024xi32, #tpu.memory_space<hbm>>
      %dma_wait3A_23 = tpu.memref_squeeze %dma_wait3A_22 : memref<1x1024xi32, #tpu.memory_space<hbm>> -> memref<1024xi32, #tpu.memory_space<hbm>>
      tpu.wait_dma2 semaphore(%run_scoped3A : memref<!tpu.dma_semaphore, #tpu.memory_space<semaphore_mem>>) src(%dma_wait3A_23 : memref<1024xi32, #tpu.memory_space<hbm>>) dst(%arg5 : memref<1024xi32, #tpu.memory_space<vmem>>)
      tpu.yield
    }) : () -> ()
    "tpu.region"() ({
      %run_scoped3A = tpu.sem_alloc : memref<!tpu.dma_semaphore, #tpu.memory_space<semaphore_mem>>
      %dma_start3A = arith.constant 0 : i32
      %dma_start3A_14 = arith.constant 0 : i32
      %dma_start3A_15 = tpu.memref_slice %arg3[%add3A_10, %dma_start3A, %dma_start3A_14] : memref<64x3x1024xf32, #tpu.memory_space<hbm>> -> memref<1x3x1024xf32, #tpu.memory_space<hbm>>
      %dma_start3A_16 = tpu.memref_squeeze %dma_start3A_15 : memref<1x3x1024xf32, #tpu.memory_space<hbm>> -> memref<3x1024xf32, #tpu.memory_space<hbm>>
      %dma_start3A_17 = arith.constant 0 : i32
      %dma_start3A_18 = arith.constant 0 : i32
      %dma_start3A_19 = tpu.memref_slice %arg3[%add3A_10, %dma_start3A_17, %dma_start3A_18] : memref<64x3x1024xf32, #tpu.memory_space<hbm>> -> memref<1x3x1024xf32, #tpu.memory_space<hbm>>
      %dma_start3A_20 = tpu.memref_squeeze %dma_start3A_19 : memref<1x3x1024xf32, #tpu.memory_space<hbm>> -> memref<3x1024xf32, #tpu.memory_space<hbm>>
      tpu.enqueue_dma source(%dma_start3A_20 : memref<3x1024xf32, #tpu.memory_space<hbm>>) target(%arg6 : memref<3x1024xf32, #tpu.memory_space<vmem>>) target_semaphore(%run_scoped3A : memref<!tpu.dma_semaphore, #tpu.memory_space<semaphore_mem>>)
      %dma_wait3A = arith.constant 0 : i32
      %dma_wait3A_21 = arith.constant 0 : i32
      %dma_wait3A_22 = tpu.memref_slice %arg3[%add3A_10, %dma_wait3A, %dma_wait3A_21] : memref<64x3x1024xf32, #tpu.memory_space<hbm>> -> memref<1x3x1024xf32, #tpu.memory_space<hbm>>
      %dma_wait3A_23 = tpu.memref_squeeze %dma_wait3A_22 : memref<1x3x1024xf32, #tpu.memory_space<hbm>> -> memref<3x1024xf32, #tpu.memory_space<hbm>>
      %dma_wait3A_24 = arith.constant 0 : i32
      %dma_wait3A_25 = arith.constant 0 : i32
      %dma_wait3A_26 = tpu.memref_slice %arg3[%add3A_10, %dma_wait3A_24, %dma_wait3A_25] : memref<64x3x1024xf32, #tpu.memory_space<hbm>> -> memref<1x3x1024xf32, #tpu.memory_space<hbm>>
      %dma_wait3A_27 = tpu.memref_squeeze %dma_wait3A_26 : memref<1x3x1024xf32, #tpu.memory_space<hbm>> -> memref<3x1024xf32, #tpu.memory_space<hbm>>
      tpu.wait_dma2 semaphore(%run_scoped3A : memref<!tpu.dma_semaphore, #tpu.memory_space<semaphore_mem>>) src(%dma_wait3A_27 : memref<3x1024xf32, #tpu.memory_space<hbm>>) dst(%arg6 : memref<3x1024xf32, #tpu.memory_space<vmem>>)
      tpu.yield
    }) : () -> ()
    %parallel_loop3A_11 = arith.constant 0 : i32
    %parallel_loop3A_12 = arith.constant 64 : i32
    %parallel_loop3A_13 = arith.constant 1 : i32
    scf.for %parallel_loop3A_14 = %parallel_loop3A_11 to %parallel_loop3A_12 step %parallel_loop3A_13  : i32 {
      %parallel_loop3A_15 = arith.constant 16 : i32
      %parallel_loop3A_16 = arith.muli %parallel_loop3A_14, %parallel_loop3A_15 : i32
      %parallel_loop3A_17 = arith.index_cast %parallel_loop3A_16 : i32 to index
      %parallel_loop3A_18 = tpu.vector_load %arg5[%parallel_loop3A_17] {strides = array<i32>} : memref<1024xi32, #tpu.memory_space<vmem>>, vector<16xi32>,
      %parallel_loop3A_19 = arith.constant 3 : i32
      %parallel_loop3A_20 = vector.broadcast %parallel_loop3A_19 : i32 to vector<16xi32>
      %parallel_loop3A_21 = arith.muli %parallel_loop3A_18, %parallel_loop3A_20 : vector<16xi32>
      %parallel_loop3A_22 = arith.constant 1000 : i32
      %parallel_loop3A_23 = vector.broadcast %parallel_loop3A_22 : i32 to vector<16xi32>
      %parallel_loop3A_24 = arith.cmpi slt, %parallel_loop3A_18, %parallel_loop3A_23 : vector<16xi32>
      %parallel_loop3A_25 = arith.constant 16 : i32
      %parallel_loop3A_26 = arith.muli %parallel_loop3A_14, %parallel_loop3A_25 : i32
      %parallel_loop3A_27 = arith.constant 0 : i32
      %parallel_loop3A_28 = arith.index_cast %parallel_loop3A_27 : i32 to index
      %parallel_loop3A_29 = arith.index_cast %parallel_loop3A_26 : i32 to index
      %parallel_loop3A_30 = tpu.vector_load %arg6[%parallel_loop3A_28, %parallel_loop3A_29] {strides = array<i32>} : memref<3x1024xf32, #tpu.memory_space<vmem>>, vector<16xf32>,
      %parallel_loop3A_31 = arith.constant 0 : i32
      %parallel_loop3A_32 = vector.broadcast %parallel_loop3A_31 : i32 to vector<16xi32>
      %parallel_loop3A_33 = arith.addi %parallel_loop3A_21, %parallel_loop3A_32 : vector<16xi32>
      tpu.vector_store_idx %arg7[%parallel_loop3A_33], %parallel_loop3A_30 masked %parallel_loop3A_24 : memref<3000xf32, #tpu.memory_space<vmem>>[vector<16xi32>], vector<16xf32>, vector<16xi1>
      %parallel_loop3A_34 = arith.constant 16 : i32
      %parallel_loop3A_35 = arith.muli %parallel_loop3A_14, %parallel_loop3A_34 : i32
      %parallel_loop3A_36 = arith.constant 1 : i32
      %parallel_loop3A_37 = arith.index_cast %parallel_loop3A_36 : i32 to index
      %parallel_loop3A_38 = arith.index_cast %parallel_loop3A_35 : i32 to index
      %parallel_loop3A_39 = tpu.vector_load %arg6[%parallel_loop3A_37, %parallel_loop3A_38] {strides = array<i32>} : memref<3x1024xf32, #tpu.memory_space<vmem>>, vector<16xf32>,
      %parallel_loop3A_40 = arith.constant 1 : i32
      %parallel_loop3A_41 = vector.broadcast %parallel_loop3A_40 : i32 to vector<16xi32>
      %parallel_loop3A_42 = arith.addi %parallel_loop3A_21, %parallel_loop3A_41 : vector<16xi32>
      tpu.vector_store_idx %arg7[%parallel_loop3A_42], %parallel_loop3A_39 masked %parallel_loop3A_24 : memref<3000xf32, #tpu.memory_space<vmem>>[vector<16xi32>], vector<16xf32>, vector<16xi1>
      %parallel_loop3A_43 = arith.constant 16 : i32
      %parallel_loop3A_44 = arith.muli %parallel_loop3A_14, %parallel_loop3A_43 : i32
      %parallel_loop3A_45 = arith.constant 2 : i32
      %parallel_loop3A_46 = arith.index_cast %parallel_loop3A_45 : i32 to index
      %parallel_loop3A_47 = arith.index_cast %parallel_loop3A_44 : i32 to index
      %parallel_loop3A_48 = tpu.vector_load %arg6[%parallel_loop3A_46, %parallel_loop3A_47] {strides = array<i32>} : memref<3x1024xf32, #tpu.memory_space<vmem>>, vector<16xf32>,
      %parallel_loop3A_49 = arith.constant 2 : i32
      %parallel_loop3A_50 = vector.broadcast %parallel_loop3A_49 : i32 to vector<16xi32>
      %parallel_loop3A_51 = arith.addi %parallel_loop3A_21, %parallel_loop3A_50 : vector<16xi32>
      tpu.vector_store_idx %arg7[%parallel_loop3A_51], %parallel_loop3A_48 masked %parallel_loop3A_24 : memref<3000xf32, #tpu.memory_space<vmem>>[vector<16xi32>], vector<16xf32>, vector<16xi1>
    } {sc.loop_unroll_factor = 4 : i64, sc.parallel_access}
    "tpu.region"() ({
      %run_scoped3A = tpu.sem_alloc : memref<!tpu.dma_semaphore, #tpu.memory_space<semaphore_mem>>
      %dma_start3A = arith.constant 0 : i32
      %dma_start3A_14 = tpu.memref_slice %arg4[%add3A_10, %dma_start3A] : memref<64x3000xf32, #tpu.memory_space<hbm>> -> memref<1x3000xf32, #tpu.memory_space<hbm>>
      %dma_start3A_15 = tpu.memref_squeeze %dma_start3A_14 : memref<1x3000xf32, #tpu.memory_space<hbm>> -> memref<3000xf32, #tpu.memory_space<hbm>>
      %dma_start3A_16 = arith.constant 0 : i32
      %dma_start3A_17 = tpu.memref_slice %arg4[%add3A_10, %dma_start3A_16] : memref<64x3000xf32, #tpu.memory_space<hbm>> -> memref<1x3000xf32, #tpu.memory_space<hbm>>
      %dma_start3A_18 = tpu.memref_squeeze %dma_start3A_17 : memref<1x3000xf32, #tpu.memory_space<hbm>> -> memref<3000xf32, #tpu.memory_space<hbm>>
      tpu.enqueue_dma source(%arg7 : memref<3000xf32, #tpu.memory_space<vmem>>) target(%dma_start3A_18 : memref<3000xf32, #tpu.memory_space<hbm>>) target_semaphore(%run_scoped3A : memref<!tpu.dma_semaphore, #tpu.memory_space<semaphore_mem>>)
      %dma_wait3A = arith.constant 0 : i32
      %dma_wait3A_19 = tpu.memref_slice %arg4[%add3A_10, %dma_wait3A] : memref<64x3000xf32, #tpu.memory_space<hbm>> -> memref<1x3000xf32, #tpu.memory_space<hbm>>
      %dma_wait3A_20 = tpu.memref_squeeze %dma_wait3A_19 : memref<1x3000xf32, #tpu.memory_space<hbm>> -> memref<3000xf32, #tpu.memory_space<hbm>>
      %dma_wait3A_21 = arith.constant 0 : i32
      %dma_wait3A_22 = tpu.memref_slice %arg4[%add3A_10, %dma_wait3A_21] : memref<64x3000xf32, #tpu.memory_space<hbm>> -> memref<1x3000xf32, #tpu.memory_space<hbm>>
      %dma_wait3A_23 = tpu.memref_squeeze %dma_wait3A_22 : memref<1x3000xf32, #tpu.memory_space<hbm>> -> memref<3000xf32, #tpu.memory_space<hbm>>
      tpu.wait_dma2 semaphore(%run_scoped3A : memref<!tpu.dma_semaphore, #tpu.memory_space<semaphore_mem>>) src(%arg7 : memref<3000xf32, #tpu.memory_space<vmem>>) dst(%dma_wait3A_23 : memref<3000xf32, #tpu.memory_space<hbm>>)
      tpu.yield
    }) : () -> ()
    return
  }
}

#map = affine_map<(d0, d1) -> (0, 0)>
module attributes {stable_mosaic.version = 14 : i64} {
  func.func @_compact_body(%arg0: i32, %arg1: i32, %arg2: memref<64x49152xi32, #tpu.memory_space<hbm>>, %arg3: memref<64x16xi32, #tpu.memory_space<hbm>>, %arg4: memref<64x1024xi32, #tpu.memory_space<hbm>>, %arg5: memref<64x1024xi32, #tpu.memory_space<hbm>>, %arg6: memref<49152xi32, #tpu.memory_space<vmem>>, %arg7: memref<1024xi32, #tpu.memory_space<vmem>>, %arg8: memref<1024xi32, #tpu.memory_space<vmem>>, %arg9: memref<16xi32, #tpu.memory_space<vmem>>) attributes {dimension_semantics = [#tpu.dimension_semantics<core_parallel>, #tpu.dimension_semantics<subcore_parallel>], iteration_bounds = array<i64: 2, 16>, scalar_prefetch = 0 : i64, scratch_operands = 4 : i64, tpu.core_type = #tpu.core_type<sc_vector_subcore>, window_params = [{transform_indices = #map}, {transform_indices = #map}, {transform_indices = #map}, {transform_indices = #map}]} {
    %mul3A = arith.constant 2 : i32
    %mul3A_0 = arith.muli %arg1, %mul3A : i32
    %add3A = arith.addi %mul3A_0, %arg0 : i32
    %iota3A = tpu.iota {dimensions = array<i32: 0>} : vector<16xi32>
    %mul3A_1 = arith.constant 2 : i32
    %mul3A_2 = arith.muli %add3A, %mul3A_1 : i32
    %add3A_3 = arith.constant 0 : i32
    %add3A_4 = arith.addi %mul3A_2, %add3A_3 : i32
    "tpu.region"() ({
      %run_scoped3A = tpu.sem_alloc : memref<!tpu.dma_semaphore, #tpu.memory_space<semaphore_mem>>
      %dma_start3A = arith.constant 0 : i32
      %dma_start3A_28 = tpu.memref_slice %arg2[%add3A_4, %dma_start3A] : memref<64x49152xi32, #tpu.memory_space<hbm>> -> memref<1x49152xi32, #tpu.memory_space<hbm>>
      %dma_start3A_29 = tpu.memref_squeeze %dma_start3A_28 : memref<1x49152xi32, #tpu.memory_space<hbm>> -> memref<49152xi32, #tpu.memory_space<hbm>>
      %dma_start3A_30 = arith.constant 0 : i32
      %dma_start3A_31 = tpu.memref_slice %arg2[%add3A_4, %dma_start3A_30] : memref<64x49152xi32, #tpu.memory_space<hbm>> -> memref<1x49152xi32, #tpu.memory_space<hbm>>
      %dma_start3A_32 = tpu.memref_squeeze %dma_start3A_31 : memref<1x49152xi32, #tpu.memory_space<hbm>> -> memref<49152xi32, #tpu.memory_space<hbm>>
      tpu.enqueue_dma source(%dma_start3A_32 : memref<49152xi32, #tpu.memory_space<hbm>>) target(%arg6 : memref<49152xi32, #tpu.memory_space<vmem>>) target_semaphore(%run_scoped3A : memref<!tpu.dma_semaphore, #tpu.memory_space<semaphore_mem>>)
      %dma_wait3A = arith.constant 0 : i32
      %dma_wait3A_33 = tpu.memref_slice %arg2[%add3A_4, %dma_wait3A] : memref<64x49152xi32, #tpu.memory_space<hbm>> -> memref<1x49152xi32, #tpu.memory_space<hbm>>
      %dma_wait3A_34 = tpu.memref_squeeze %dma_wait3A_33 : memref<1x49152xi32, #tpu.memory_space<hbm>> -> memref<49152xi32, #tpu.memory_space<hbm>>
      %dma_wait3A_35 = arith.constant 0 : i32
      %dma_wait3A_36 = tpu.memref_slice %arg2[%add3A_4, %dma_wait3A_35] : memref<64x49152xi32, #tpu.memory_space<hbm>> -> memref<1x49152xi32, #tpu.memory_space<hbm>>
      %dma_wait3A_37 = tpu.memref_squeeze %dma_wait3A_36 : memref<1x49152xi32, #tpu.memory_space<hbm>> -> memref<49152xi32, #tpu.memory_space<hbm>>
      tpu.wait_dma2 semaphore(%run_scoped3A : memref<!tpu.dma_semaphore, #tpu.memory_space<semaphore_mem>>) src(%dma_wait3A_37 : memref<49152xi32, #tpu.memory_space<hbm>>) dst(%arg6 : memref<49152xi32, #tpu.memory_space<vmem>>)
      tpu.yield
    }) : () -> ()
    "tpu.region"() ({
      %run_scoped3A = tpu.sem_alloc : memref<!tpu.dma_semaphore, #tpu.memory_space<semaphore_mem>>
      %dma_start3A = arith.constant 0 : i32
      %dma_start3A_28 = tpu.memref_slice %arg3[%add3A_4, %dma_start3A] : memref<64x16xi32, #tpu.memory_space<hbm>> -> memref<1x16xi32, #tpu.memory_space<hbm>>
      %dma_start3A_29 = tpu.memref_squeeze %dma_start3A_28 : memref<1x16xi32, #tpu.memory_space<hbm>> -> memref<16xi32, #tpu.memory_space<hbm>>
      %dma_start3A_30 = arith.constant 0 : i32
      %dma_start3A_31 = tpu.memref_slice %arg3[%add3A_4, %dma_start3A_30] : memref<64x16xi32, #tpu.memory_space<hbm>> -> memref<1x16xi32, #tpu.memory_space<hbm>>
      %dma_start3A_32 = tpu.memref_squeeze %dma_start3A_31 : memref<1x16xi32, #tpu.memory_space<hbm>> -> memref<16xi32, #tpu.memory_space<hbm>>
      tpu.enqueue_dma source(%dma_start3A_32 : memref<16xi32, #tpu.memory_space<hbm>>) target(%arg9 : memref<16xi32, #tpu.memory_space<vmem>>) target_semaphore(%run_scoped3A : memref<!tpu.dma_semaphore, #tpu.memory_space<semaphore_mem>>)
      %dma_wait3A = arith.constant 0 : i32
      %dma_wait3A_33 = tpu.memref_slice %arg3[%add3A_4, %dma_wait3A] : memref<64x16xi32, #tpu.memory_space<hbm>> -> memref<1x16xi32, #tpu.memory_space<hbm>>
      %dma_wait3A_34 = tpu.memref_squeeze %dma_wait3A_33 : memref<1x16xi32, #tpu.memory_space<hbm>> -> memref<16xi32, #tpu.memory_space<hbm>>
      %dma_wait3A_35 = arith.constant 0 : i32
      %dma_wait3A_36 = tpu.memref_slice %arg3[%add3A_4, %dma_wait3A_35] : memref<64x16xi32, #tpu.memory_space<hbm>> -> memref<1x16xi32, #tpu.memory_space<hbm>>
      %dma_wait3A_37 = tpu.memref_squeeze %dma_wait3A_36 : memref<1x16xi32, #tpu.memory_space<hbm>> -> memref<16xi32, #tpu.memory_space<hbm>>
      tpu.wait_dma2 semaphore(%run_scoped3A : memref<!tpu.dma_semaphore, #tpu.memory_space<semaphore_mem>>) src(%dma_wait3A_37 : memref<16xi32, #tpu.memory_space<hbm>>) dst(%arg9 : memref<16xi32, #tpu.memory_space<vmem>>)
      tpu.yield
    }) : () -> ()
    %get3A = arith.constant 0 : index
    %get3A_5 = tpu.vector_load %arg9[%get3A] {strides = array<i32>} : memref<16xi32, #tpu.memory_space<vmem>>, vector<16xi32>,
    %parallel_loop3A = arith.constant 0 : i32
    %parallel_loop3A_6 = arith.constant 64 : i32
    %parallel_loop3A_7 = arith.constant 1 : i32
    scf.for %parallel_loop3A_28 = %parallel_loop3A to %parallel_loop3A_6 step %parallel_loop3A_7  : i32 {
      %parallel_loop3A_29 = arith.constant 16 : i32
      %parallel_loop3A_30 = arith.muli %parallel_loop3A_28, %parallel_loop3A_29 : i32
      %parallel_loop3A_31 = arith.constant 1048576 : i32
      %parallel_loop3A_32 = arith.addi %parallel_loop3A_31, %parallel_loop3A_30 : i32
      %parallel_loop3A_33 = vector.broadcast %parallel_loop3A_32 : i32 to vector<16xi32>
      %parallel_loop3A_34 = arith.addi %parallel_loop3A_33, %iota3A : vector<16xi32>
      %parallel_loop3A_35 = arith.constant 16 : i32
      %parallel_loop3A_36 = arith.muli %parallel_loop3A_28, %parallel_loop3A_35 : i32
      %parallel_loop3A_37 = arith.index_cast %parallel_loop3A_36 : i32 to index
      %parallel_loop3A_38 = tpu.vector_load %arg7[%parallel_loop3A_37] {strides = array<i32>} : memref<1024xi32, #tpu.memory_space<vmem>>, vector<16xi32>,
      tpu.vector_store %arg7[%parallel_loop3A_37], %parallel_loop3A_34 {strides = array<i32>} : memref<1024xi32, #tpu.memory_space<vmem>>, vector<16xi32>,
      %parallel_loop3A_39 = arith.constant 0 : i32
      %parallel_loop3A_40 = vector.broadcast %parallel_loop3A_39 : i32 to vector<16xi32>
      %parallel_loop3A_41 = arith.constant 16 : i32
      %parallel_loop3A_42 = arith.muli %parallel_loop3A_28, %parallel_loop3A_41 : i32
      %parallel_loop3A_43 = arith.index_cast %parallel_loop3A_42 : i32 to index
      %parallel_loop3A_44 = tpu.vector_load %arg8[%parallel_loop3A_43] {strides = array<i32>} : memref<1024xi32, #tpu.memory_space<vmem>>, vector<16xi32>,
      tpu.vector_store %arg8[%parallel_loop3A_43], %parallel_loop3A_40 {strides = array<i32>} : memref<1024xi32, #tpu.memory_space<vmem>>, vector<16xi32>,
    } {sc.loop_unroll_factor = 4 : i64, sc.parallel_access}
    %broadcast_in_dim3A = arith.constant 0 : i32
    %broadcast_in_dim3A_8 = vector.broadcast %broadcast_in_dim3A : i32 to vector<16xi32>
    %parallel_loop3A_9 = arith.constant 0 : i32
    %parallel_loop3A_10 = arith.constant 3072 : i32
    %parallel_loop3A_11 = arith.constant 1 : i32
    %parallel_loop3A_12 = scf.for %parallel_loop3A_28 = %parallel_loop3A_9 to %parallel_loop3A_10 step %parallel_loop3A_11 iter_args(%parallel_loop3A_29 = %broadcast_in_dim3A_8) -> (vector<16xi32>)  : i32 {
      %parallel_loop3A_30 = arith.constant 16 : i32
      %parallel_loop3A_31 = arith.muli %parallel_loop3A_28, %parallel_loop3A_30 : i32
      %parallel_loop3A_32 = arith.index_cast %parallel_loop3A_31 : i32 to index
      %parallel_loop3A_33 = tpu.vector_load %arg6[%parallel_loop3A_32] {strides = array<i32>} : memref<49152xi32, #tpu.memory_space<vmem>>, vector<16xi32>,
      %parallel_loop3A_34 = arith.cmpi sge, %parallel_loop3A_33, %get3A_5 : vector<16xi32>
      %parallel_loop3A_35 = arith.constant 1 : i32
      %parallel_loop3A_36 = arith.constant 0 : i32
      %parallel_loop3A_37 = vector.broadcast %parallel_loop3A_35 : i32 to vector<16xi32>
      %parallel_loop3A_38 = vector.broadcast %parallel_loop3A_36 : i32 to vector<16xi32>
      %parallel_loop3A_39 = arith.select %parallel_loop3A_34, %parallel_loop3A_37, %parallel_loop3A_38 : vector<16xi1>, vector<16xi32>
      %parallel_loop3A_40 = arith.constant true
      %parallel_loop3A_41 = vector.broadcast %parallel_loop3A_40 : i1 to vector<16xi1>
      %parallel_loop3A_42 = tpu.scan <sum>, %parallel_loop3A_39 masked %parallel_loop3A_41 : vector<16xi32>, vector<16xi1> -> vector<16xi32>
      %parallel_loop3A_43 = arith.addi %parallel_loop3A_29, %parallel_loop3A_42 : vector<16xi32>
      %parallel_loop3A_44 = arith.constant 1 : i32
      %parallel_loop3A_45 = vector.broadcast %parallel_loop3A_44 : i32 to vector<16xi32>
      %parallel_loop3A_46 = arith.subi %parallel_loop3A_43, %parallel_loop3A_45 : vector<16xi32>
      %parallel_loop3A_47 = arith.constant 1024 : i32
      %parallel_loop3A_48 = vector.broadcast %parallel_loop3A_47 : i32 to vector<16xi32>
      %parallel_loop3A_49 = arith.cmpi slt, %parallel_loop3A_46, %parallel_loop3A_48 : vector<16xi32>
      %parallel_loop3A_50 = arith.andi %parallel_loop3A_34, %parallel_loop3A_49 : vector<16xi1>
      %parallel_loop3A_51 = arith.constant 16 : i32
      %parallel_loop3A_52 = arith.muli %parallel_loop3A_28, %parallel_loop3A_51 : i32
      %parallel_loop3A_53 = vector.broadcast %parallel_loop3A_52 : i32 to vector<16xi32>
      %parallel_loop3A_54 = arith.addi %parallel_loop3A_53, %iota3A : vector<16xi32>
      tpu.vector_store_idx %arg7[%parallel_loop3A_46], %parallel_loop3A_54 masked %parallel_loop3A_50 : memref<1024xi32, #tpu.memory_space<vmem>>[vector<16xi32>], vector<16xi32>, vector<16xi1>
      tpu.vector_store_idx %arg8[%parallel_loop3A_46], %parallel_loop3A_33 masked %parallel_loop3A_50 : memref<1024xi32, #tpu.memory_space<vmem>>[vector<16xi32>], vector<16xi32>, vector<16xi1>
      %parallel_loop3A_55 = tpu.all_reduce %parallel_loop3A_34 {dim = 0 : i64, kind = #tpu.reduction_kind<sum>} : vector<16xi1> -> vector<16xi32>
      %parallel_loop3A_56 = arith.addi %parallel_loop3A_29, %parallel_loop3A_55 : vector<16xi32>
      scf.yield %parallel_loop3A_56 : vector<16xi32>
    } {sc.loop_unroll_factor = 8 : i64, sc.parallel_access}
    "tpu.region"() ({
      %run_scoped3A = tpu.sem_alloc : memref<!tpu.dma_semaphore, #tpu.memory_space<semaphore_mem>>
      %dma_start3A = arith.constant 0 : i32
      %dma_start3A_28 = tpu.memref_slice %arg4[%add3A_4, %dma_start3A] : memref<64x1024xi32, #tpu.memory_space<hbm>> -> memref<1x1024xi32, #tpu.memory_space<hbm>>
      %dma_start3A_29 = tpu.memref_squeeze %dma_start3A_28 : memref<1x1024xi32, #tpu.memory_space<hbm>> -> memref<1024xi32, #tpu.memory_space<hbm>>
      %dma_start3A_30 = arith.constant 0 : i32
      %dma_start3A_31 = tpu.memref_slice %arg4[%add3A_4, %dma_start3A_30] : memref<64x1024xi32, #tpu.memory_space<hbm>> -> memref<1x1024xi32, #tpu.memory_space<hbm>>
      %dma_start3A_32 = tpu.memref_squeeze %dma_start3A_31 : memref<1x1024xi32, #tpu.memory_space<hbm>> -> memref<1024xi32, #tpu.memory_space<hbm>>
      tpu.enqueue_dma source(%arg7 : memref<1024xi32, #tpu.memory_space<vmem>>) target(%dma_start3A_32 : memref<1024xi32, #tpu.memory_space<hbm>>) target_semaphore(%run_scoped3A : memref<!tpu.dma_semaphore, #tpu.memory_space<semaphore_mem>>)
      %dma_wait3A = arith.constant 0 : i32
      %dma_wait3A_33 = tpu.memref_slice %arg4[%add3A_4, %dma_wait3A] : memref<64x1024xi32, #tpu.memory_space<hbm>> -> memref<1x1024xi32, #tpu.memory_space<hbm>>
      %dma_wait3A_34 = tpu.memref_squeeze %dma_wait3A_33 : memref<1x1024xi32, #tpu.memory_space<hbm>> -> memref<1024xi32, #tpu.memory_space<hbm>>
      %dma_wait3A_35 = arith.constant 0 : i32
      %dma_wait3A_36 = tpu.memref_slice %arg4[%add3A_4, %dma_wait3A_35] : memref<64x1024xi32, #tpu.memory_space<hbm>> -> memref<1x1024xi32, #tpu.memory_space<hbm>>
      %dma_wait3A_37 = tpu.memref_squeeze %dma_wait3A_36 : memref<1x1024xi32, #tpu.memory_space<hbm>> -> memref<1024xi32, #tpu.memory_space<hbm>>
      tpu.wait_dma2 semaphore(%run_scoped3A : memref<!tpu.dma_semaphore, #tpu.memory_space<semaphore_mem>>) src(%arg7 : memref<1024xi32, #tpu.memory_space<vmem>>) dst(%dma_wait3A_37 : memref<1024xi32, #tpu.memory_space<hbm>>)
      tpu.yield
    }) : () -> ()
    "tpu.region"() ({
      %run_scoped3A = tpu.sem_alloc : memref<!tpu.dma_semaphore, #tpu.memory_space<semaphore_mem>>
      %dma_start3A = arith.constant 0 : i32
      %dma_start3A_28 = tpu.memref_slice %arg5[%add3A_4, %dma_start3A] : memref<64x1024xi32, #tpu.memory_space<hbm>> -> memref<1x1024xi32, #tpu.memory_space<hbm>>
      %dma_start3A_29 = tpu.memref_squeeze %dma_start3A_28 : memref<1x1024xi32, #tpu.memory_space<hbm>> -> memref<1024xi32, #tpu.memory_space<hbm>>
      %dma_start3A_30 = arith.constant 0 : i32
      %dma_start3A_31 = tpu.memref_slice %arg5[%add3A_4, %dma_start3A_30] : memref<64x1024xi32, #tpu.memory_space<hbm>> -> memref<1x1024xi32, #tpu.memory_space<hbm>>
      %dma_start3A_32 = tpu.memref_squeeze %dma_start3A_31 : memref<1x1024xi32, #tpu.memory_space<hbm>> -> memref<1024xi32, #tpu.memory_space<hbm>>
      tpu.enqueue_dma source(%arg8 : memref<1024xi32, #tpu.memory_space<vmem>>) target(%dma_start3A_32 : memref<1024xi32, #tpu.memory_space<hbm>>) target_semaphore(%run_scoped3A : memref<!tpu.dma_semaphore, #tpu.memory_space<semaphore_mem>>)
      %dma_wait3A = arith.constant 0 : i32
      %dma_wait3A_33 = tpu.memref_slice %arg5[%add3A_4, %dma_wait3A] : memref<64x1024xi32, #tpu.memory_space<hbm>> -> memref<1x1024xi32, #tpu.memory_space<hbm>>
      %dma_wait3A_34 = tpu.memref_squeeze %dma_wait3A_33 : memref<1x1024xi32, #tpu.memory_space<hbm>> -> memref<1024xi32, #tpu.memory_space<hbm>>
      %dma_wait3A_35 = arith.constant 0 : i32
      %dma_wait3A_36 = tpu.memref_slice %arg5[%add3A_4, %dma_wait3A_35] : memref<64x1024xi32, #tpu.memory_space<hbm>> -> memref<1x1024xi32, #tpu.memory_space<hbm>>
      %dma_wait3A_37 = tpu.memref_squeeze %dma_wait3A_36 : memref<1x1024xi32, #tpu.memory_space<hbm>> -> memref<1024xi32, #tpu.memory_space<hbm>>
      tpu.wait_dma2 semaphore(%run_scoped3A : memref<!tpu.dma_semaphore, #tpu.memory_space<semaphore_mem>>) src(%arg8 : memref<1024xi32, #tpu.memory_space<vmem>>) dst(%dma_wait3A_37 : memref<1024xi32, #tpu.memory_space<hbm>>)
      tpu.yield
    }) : () -> ()
    %mul3A_13 = arith.constant 2 : i32
    %mul3A_14 = arith.muli %add3A, %mul3A_13 : i32
    %add3A_15 = arith.constant 1 : i32
    %add3A_16 = arith.addi %mul3A_14, %add3A_15 : i32
    "tpu.region"() ({
      %run_scoped3A = tpu.sem_alloc : memref<!tpu.dma_semaphore, #tpu.memory_space<semaphore_mem>>
      %dma_start3A = arith.constant 0 : i32
      %dma_start3A_28 = tpu.memref_slice %arg2[%add3A_16, %dma_start3A] : memref<64x49152xi32, #tpu.memory_space<hbm>> -> memref<1x49152xi32, #tpu.memory_space<hbm>>
      %dma_start3A_29 = tpu.memref_squeeze %dma_start3A_28 : memref<1x49152xi32, #tpu.memory_space<hbm>> -> memref<49152xi32, #tpu.memory_space<hbm>>
      %dma_start3A_30 = arith.constant 0 : i32
      %dma_start3A_31 = tpu.memref_slice %arg2[%add3A_16, %dma_start3A_30] : memref<64x49152xi32, #tpu.memory_space<hbm>> -> memref<1x49152xi32, #tpu.memory_space<hbm>>
      %dma_start3A_32 = tpu.memref_squeeze %dma_start3A_31 : memref<1x49152xi32, #tpu.memory_space<hbm>> -> memref<49152xi32, #tpu.memory_space<hbm>>
      tpu.enqueue_dma source(%dma_start3A_32 : memref<49152xi32, #tpu.memory_space<hbm>>) target(%arg6 : memref<49152xi32, #tpu.memory_space<vmem>>) target_semaphore(%run_scoped3A : memref<!tpu.dma_semaphore, #tpu.memory_space<semaphore_mem>>)
      %dma_wait3A = arith.constant 0 : i32
      %dma_wait3A_33 = tpu.memref_slice %arg2[%add3A_16, %dma_wait3A] : memref<64x49152xi32, #tpu.memory_space<hbm>> -> memref<1x49152xi32, #tpu.memory_space<hbm>>
      %dma_wait3A_34 = tpu.memref_squeeze %dma_wait3A_33 : memref<1x49152xi32, #tpu.memory_space<hbm>> -> memref<49152xi32, #tpu.memory_space<hbm>>
      %dma_wait3A_35 = arith.constant 0 : i32
      %dma_wait3A_36 = tpu.memref_slice %arg2[%add3A_16, %dma_wait3A_35] : memref<64x49152xi32, #tpu.memory_space<hbm>> -> memref<1x49152xi32, #tpu.memory_space<hbm>>
      %dma_wait3A_37 = tpu.memref_squeeze %dma_wait3A_36 : memref<1x49152xi32, #tpu.memory_space<hbm>> -> memref<49152xi32, #tpu.memory_space<hbm>>
      tpu.wait_dma2 semaphore(%run_scoped3A : memref<!tpu.dma_semaphore, #tpu.memory_space<semaphore_mem>>) src(%dma_wait3A_37 : memref<49152xi32, #tpu.memory_space<hbm>>) dst(%arg6 : memref<49152xi32, #tpu.memory_space<vmem>>)
      tpu.yield
    }) : () -> ()
    "tpu.region"() ({
      %run_scoped3A = tpu.sem_alloc : memref<!tpu.dma_semaphore, #tpu.memory_space<semaphore_mem>>
      %dma_start3A = arith.constant 0 : i32
      %dma_start3A_28 = tpu.memref_slice %arg3[%add3A_16, %dma_start3A] : memref<64x16xi32, #tpu.memory_space<hbm>> -> memref<1x16xi32, #tpu.memory_space<hbm>>
      %dma_start3A_29 = tpu.memref_squeeze %dma_start3A_28 : memref<1x16xi32, #tpu.memory_space<hbm>> -> memref<16xi32, #tpu.memory_space<hbm>>
      %dma_start3A_30 = arith.constant 0 : i32
      %dma_start3A_31 = tpu.memref_slice %arg3[%add3A_16, %dma_start3A_30] : memref<64x16xi32, #tpu.memory_space<hbm>> -> memref<1x16xi32, #tpu.memory_space<hbm>>
      %dma_start3A_32 = tpu.memref_squeeze %dma_start3A_31 : memref<1x16xi32, #tpu.memory_space<hbm>> -> memref<16xi32, #tpu.memory_space<hbm>>
      tpu.enqueue_dma source(%dma_start3A_32 : memref<16xi32, #tpu.memory_space<hbm>>) target(%arg9 : memref<16xi32, #tpu.memory_space<vmem>>) target_semaphore(%run_scoped3A : memref<!tpu.dma_semaphore, #tpu.memory_space<semaphore_mem>>)
      %dma_wait3A = arith.constant 0 : i32
      %dma_wait3A_33 = tpu.memref_slice %arg3[%add3A_16, %dma_wait3A] : memref<64x16xi32, #tpu.memory_space<hbm>> -> memref<1x16xi32, #tpu.memory_space<hbm>>
      %dma_wait3A_34 = tpu.memref_squeeze %dma_wait3A_33 : memref<1x16xi32, #tpu.memory_space<hbm>> -> memref<16xi32, #tpu.memory_space<hbm>>
      %dma_wait3A_35 = arith.constant 0 : i32
      %dma_wait3A_36 = tpu.memref_slice %arg3[%add3A_16, %dma_wait3A_35] : memref<64x16xi32, #tpu.memory_space<hbm>> -> memref<1x16xi32, #tpu.memory_space<hbm>>
      %dma_wait3A_37 = tpu.memref_squeeze %dma_wait3A_36 : memref<1x16xi32, #tpu.memory_space<hbm>> -> memref<16xi32, #tpu.memory_space<hbm>>
      tpu.wait_dma2 semaphore(%run_scoped3A : memref<!tpu.dma_semaphore, #tpu.memory_space<semaphore_mem>>) src(%dma_wait3A_37 : memref<16xi32, #tpu.memory_space<hbm>>) dst(%arg9 : memref<16xi32, #tpu.memory_space<vmem>>)
      tpu.yield
    }) : () -> ()
    %get3A_17 = arith.constant 0 : index
    %get3A_18 = tpu.vector_load %arg9[%get3A_17] {strides = array<i32>} : memref<16xi32, #tpu.memory_space<vmem>>, vector<16xi32>,
    %parallel_loop3A_19 = arith.constant 0 : i32
    %parallel_loop3A_20 = arith.constant 64 : i32
    %parallel_loop3A_21 = arith.constant 1 : i32
    scf.for %parallel_loop3A_28 = %parallel_loop3A_19 to %parallel_loop3A_20 step %parallel_loop3A_21  : i32 {
      %parallel_loop3A_29 = arith.constant 16 : i32
      %parallel_loop3A_30 = arith.muli %parallel_loop3A_28, %parallel_loop3A_29 : i32
      %parallel_loop3A_31 = arith.constant 1048576 : i32
      %parallel_loop3A_32 = arith.addi %parallel_loop3A_31, %parallel_loop3A_30 : i32
      %parallel_loop3A_33 = vector.broadcast %parallel_loop3A_32 : i32 to vector<16xi32>
      %parallel_loop3A_34 = arith.addi %parallel_loop3A_33, %iota3A : vector<16xi32>
      %parallel_loop3A_35 = arith.constant 16 : i32
      %parallel_loop3A_36 = arith.muli %parallel_loop3A_28, %parallel_loop3A_35 : i32
      %parallel_loop3A_37 = arith.index_cast %parallel_loop3A_36 : i32 to index
      %parallel_loop3A_38 = tpu.vector_load %arg7[%parallel_loop3A_37] {strides = array<i32>} : memref<1024xi32, #tpu.memory_space<vmem>>, vector<16xi32>,
      tpu.vector_store %arg7[%parallel_loop3A_37], %parallel_loop3A_34 {strides = array<i32>} : memref<1024xi32, #tpu.memory_space<vmem>>, vector<16xi32>,
      %parallel_loop3A_39 = arith.constant 0 : i32
      %parallel_loop3A_40 = vector.broadcast %parallel_loop3A_39 : i32 to vector<16xi32>
      %parallel_loop3A_41 = arith.constant 16 : i32
      %parallel_loop3A_42 = arith.muli %parallel_loop3A_28, %parallel_loop3A_41 : i32
      %parallel_loop3A_43 = arith.index_cast %parallel_loop3A_42 : i32 to index
      %parallel_loop3A_44 = tpu.vector_load %arg8[%parallel_loop3A_43] {strides = array<i32>} : memref<1024xi32, #tpu.memory_space<vmem>>, vector<16xi32>,
      tpu.vector_store %arg8[%parallel_loop3A_43], %parallel_loop3A_40 {strides = array<i32>} : memref<1024xi32, #tpu.memory_space<vmem>>, vector<16xi32>,
    } {sc.loop_unroll_factor = 4 : i64, sc.parallel_access}
    %broadcast_in_dim3A_22 = arith.constant 0 : i32
    %broadcast_in_dim3A_23 = vector.broadcast %broadcast_in_dim3A_22 : i32 to vector<16xi32>
    %parallel_loop3A_24 = arith.constant 0 : i32
    %parallel_loop3A_25 = arith.constant 3072 : i32
    %parallel_loop3A_26 = arith.constant 1 : i32
    %parallel_loop3A_27 = scf.for %parallel_loop3A_28 = %parallel_loop3A_24 to %parallel_loop3A_25 step %parallel_loop3A_26 iter_args(%parallel_loop3A_29 = %broadcast_in_dim3A_23) -> (vector<16xi32>)  : i32 {
      %parallel_loop3A_30 = arith.constant 16 : i32
      %parallel_loop3A_31 = arith.muli %parallel_loop3A_28, %parallel_loop3A_30 : i32
      %parallel_loop3A_32 = arith.index_cast %parallel_loop3A_31 : i32 to index
      %parallel_loop3A_33 = tpu.vector_load %arg6[%parallel_loop3A_32] {strides = array<i32>} : memref<49152xi32, #tpu.memory_space<vmem>>, vector<16xi32>,
      %parallel_loop3A_34 = arith.cmpi sge, %parallel_loop3A_33, %get3A_18 : vector<16xi32>
      %parallel_loop3A_35 = arith.constant 1 : i32
      %parallel_loop3A_36 = arith.constant 0 : i32
      %parallel_loop3A_37 = vector.broadcast %parallel_loop3A_35 : i32 to vector<16xi32>
      %parallel_loop3A_38 = vector.broadcast %parallel_loop3A_36 : i32 to vector<16xi32>
      %parallel_loop3A_39 = arith.select %parallel_loop3A_34, %parallel_loop3A_37, %parallel_loop3A_38 : vector<16xi1>, vector<16xi32>
      %parallel_loop3A_40 = arith.constant true
      %parallel_loop3A_41 = vector.broadcast %parallel_loop3A_40 : i1 to vector<16xi1>
      %parallel_loop3A_42 = tpu.scan <sum>, %parallel_loop3A_39 masked %parallel_loop3A_41 : vector<16xi32>, vector<16xi1> -> vector<16xi32>
      %parallel_loop3A_43 = arith.addi %parallel_loop3A_29, %parallel_loop3A_42 : vector<16xi32>
      %parallel_loop3A_44 = arith.constant 1 : i32
      %parallel_loop3A_45 = vector.broadcast %parallel_loop3A_44 : i32 to vector<16xi32>
      %parallel_loop3A_46 = arith.subi %parallel_loop3A_43, %parallel_loop3A_45 : vector<16xi32>
      %parallel_loop3A_47 = arith.constant 1024 : i32
      %parallel_loop3A_48 = vector.broadcast %parallel_loop3A_47 : i32 to vector<16xi32>
      %parallel_loop3A_49 = arith.cmpi slt, %parallel_loop3A_46, %parallel_loop3A_48 : vector<16xi32>
      %parallel_loop3A_50 = arith.andi %parallel_loop3A_34, %parallel_loop3A_49 : vector<16xi1>
      %parallel_loop3A_51 = arith.constant 16 : i32
      %parallel_loop3A_52 = arith.muli %parallel_loop3A_28, %parallel_loop3A_51 : i32
      %parallel_loop3A_53 = vector.broadcast %parallel_loop3A_52 : i32 to vector<16xi32>
      %parallel_loop3A_54 = arith.addi %parallel_loop3A_53, %iota3A : vector<16xi32>
      tpu.vector_store_idx %arg7[%parallel_loop3A_46], %parallel_loop3A_54 masked %parallel_loop3A_50 : memref<1024xi32, #tpu.memory_space<vmem>>[vector<16xi32>], vector<16xi32>, vector<16xi1>
      tpu.vector_store_idx %arg8[%parallel_loop3A_46], %parallel_loop3A_33 masked %parallel_loop3A_50 : memref<1024xi32, #tpu.memory_space<vmem>>[vector<16xi32>], vector<16xi32>, vector<16xi1>
      %parallel_loop3A_55 = tpu.all_reduce %parallel_loop3A_34 {dim = 0 : i64, kind = #tpu.reduction_kind<sum>} : vector<16xi1> -> vector<16xi32>
      %parallel_loop3A_56 = arith.addi %parallel_loop3A_29, %parallel_loop3A_55 : vector<16xi32>
      scf.yield %parallel_loop3A_56 : vector<16xi32>
    } {sc.loop_unroll_factor = 8 : i64, sc.parallel_access}
    "tpu.region"() ({
      %run_scoped3A = tpu.sem_alloc : memref<!tpu.dma_semaphore, #tpu.memory_space<semaphore_mem>>
      %dma_start3A = arith.constant 0 : i32
      %dma_start3A_28 = tpu.memref_slice %arg4[%add3A_16, %dma_start3A] : memref<64x1024xi32, #tpu.memory_space<hbm>> -> memref<1x1024xi32, #tpu.memory_space<hbm>>
      %dma_start3A_29 = tpu.memref_squeeze %dma_start3A_28 : memref<1x1024xi32, #tpu.memory_space<hbm>> -> memref<1024xi32, #tpu.memory_space<hbm>>
      %dma_start3A_30 = arith.constant 0 : i32
      %dma_start3A_31 = tpu.memref_slice %arg4[%add3A_16, %dma_start3A_30] : memref<64x1024xi32, #tpu.memory_space<hbm>> -> memref<1x1024xi32, #tpu.memory_space<hbm>>
      %dma_start3A_32 = tpu.memref_squeeze %dma_start3A_31 : memref<1x1024xi32, #tpu.memory_space<hbm>> -> memref<1024xi32, #tpu.memory_space<hbm>>
      tpu.enqueue_dma source(%arg7 : memref<1024xi32, #tpu.memory_space<vmem>>) target(%dma_start3A_32 : memref<1024xi32, #tpu.memory_space<hbm>>) target_semaphore(%run_scoped3A : memref<!tpu.dma_semaphore, #tpu.memory_space<semaphore_mem>>)
      %dma_wait3A = arith.constant 0 : i32
      %dma_wait3A_33 = tpu.memref_slice %arg4[%add3A_16, %dma_wait3A] : memref<64x1024xi32, #tpu.memory_space<hbm>> -> memref<1x1024xi32, #tpu.memory_space<hbm>>
      %dma_wait3A_34 = tpu.memref_squeeze %dma_wait3A_33 : memref<1x1024xi32, #tpu.memory_space<hbm>> -> memref<1024xi32, #tpu.memory_space<hbm>>
      %dma_wait3A_35 = arith.constant 0 : i32
      %dma_wait3A_36 = tpu.memref_slice %arg4[%add3A_16, %dma_wait3A_35] : memref<64x1024xi32, #tpu.memory_space<hbm>> -> memref<1x1024xi32, #tpu.memory_space<hbm>>
      %dma_wait3A_37 = tpu.memref_squeeze %dma_wait3A_36 : memref<1x1024xi32, #tpu.memory_space<hbm>> -> memref<1024xi32, #tpu.memory_space<hbm>>
      tpu.wait_dma2 semaphore(%run_scoped3A : memref<!tpu.dma_semaphore, #tpu.memory_space<semaphore_mem>>) src(%arg7 : memref<1024xi32, #tpu.memory_space<vmem>>) dst(%dma_wait3A_37 : memref<1024xi32, #tpu.memory_space<hbm>>)
      tpu.yield
    }) : () -> ()
    "tpu.region"() ({
      %run_scoped3A = tpu.sem_alloc : memref<!tpu.dma_semaphore, #tpu.memory_space<semaphore_mem>>
      %dma_start3A = arith.constant 0 : i32
      %dma_start3A_28 = tpu.memref_slice %arg5[%add3A_16, %dma_start3A] : memref<64x1024xi32, #tpu.memory_space<hbm>> -> memref<1x1024xi32, #tpu.memory_space<hbm>>
      %dma_start3A_29 = tpu.memref_squeeze %dma_start3A_28 : memref<1x1024xi32, #tpu.memory_space<hbm>> -> memref<1024xi32, #tpu.memory_space<hbm>>
      %dma_start3A_30 = arith.constant 0 : i32
      %dma_start3A_31 = tpu.memref_slice %arg5[%add3A_16, %dma_start3A_30] : memref<64x1024xi32, #tpu.memory_space<hbm>> -> memref<1x1024xi32, #tpu.memory_space<hbm>>
      %dma_start3A_32 = tpu.memref_squeeze %dma_start3A_31 : memref<1x1024xi32, #tpu.memory_space<hbm>> -> memref<1024xi32, #tpu.memory_space<hbm>>
      tpu.enqueue_dma source(%arg8 : memref<1024xi32, #tpu.memory_space<vmem>>) target(%dma_start3A_32 : memref<1024xi32, #tpu.memory_space<hbm>>) target_semaphore(%run_scoped3A : memref<!tpu.dma_semaphore, #tpu.memory_space<semaphore_mem>>)
      %dma_wait3A = arith.constant 0 : i32
      %dma_wait3A_33 = tpu.memref_slice %arg5[%add3A_16, %dma_wait3A] : memref<64x1024xi32, #tpu.memory_space<hbm>> -> memref<1x1024xi32, #tpu.memory_space<hbm>>
      %dma_wait3A_34 = tpu.memref_squeeze %dma_wait3A_33 : memref<1x1024xi32, #tpu.memory_space<hbm>> -> memref<1024xi32, #tpu.memory_space<hbm>>
      %dma_wait3A_35 = arith.constant 0 : i32
      %dma_wait3A_36 = tpu.memref_slice %arg5[%add3A_16, %dma_wait3A_35] : memref<64x1024xi32, #tpu.memory_space<hbm>> -> memref<1x1024xi32, #tpu.memory_space<hbm>>
      %dma_wait3A_37 = tpu.memref_squeeze %dma_wait3A_36 : memref<1x1024xi32, #tpu.memory_space<hbm>> -> memref<1024xi32, #tpu.memory_space<hbm>>
      tpu.wait_dma2 semaphore(%run_scoped3A : memref<!tpu.dma_semaphore, #tpu.memory_space<semaphore_mem>>) src(%arg8 : memref<1024xi32, #tpu.memory_space<vmem>>) dst(%dma_wait3A_37 : memref<1024xi32, #tpu.memory_space<hbm>>)
      tpu.yield
    }) : () -> ()
    return
  }
}

module attributes {stable_mosaic.version = 14 : i64} {
  func.func @_score_threshold_body(%arg0: i32, %arg1: memref<8x8192xf32, #tpu.memory_space<vmem>>, %arg2: memref<8x8192xf32, #tpu.memory_space<vmem>>, %arg3: memref<8x49152xi32, #tpu.memory_space<vmem>>, %arg4: memref<8x16xi32, #tpu.memory_space<vmem>>) attributes {dimension_semantics = [#tpu.dimension_semantics<parallel>], iteration_bounds = array<i64: 8>, scalar_prefetch = 0 : i64, scratch_operands = 0 : i64, tpu.core_type = #tpu.core_type<tc>, window_params = [{transform_indices = @transform_0, window_bounds = array<i64: 8, 8192>}, {transform_indices = @transform_1, window_bounds = array<i64: 8, 8192>}, {transform_indices = @transform_2, window_bounds = array<i64: 8, 49152>}, {transform_indices = @transform_3, window_bounds = array<i64: 8, 16>}]} {
    %get3A = arith.constant 0 : index
    %get3A_0 = arith.constant 0 : index
    %get3A_1 = vector.load %arg1[%get3A, %get3A_0] : memref<8x8192xf32, #tpu.memory_space<vmem>>, vector<8x8192xf32>
    %get3A_2 = arith.constant 0 : index
    %get3A_3 = arith.constant 0 : index
    %get3A_4 = vector.load %arg2[%get3A_2, %get3A_3] : memref<8x8192xf32, #tpu.memory_space<vmem>>, vector<8x8192xf32>
    %slice3A = vector.extract_strided_slice %get3A_1 {offsets = [0, 0], sizes = [8, 8185], strides = [1, 1]} : vector<8x8192xf32> to vector<8x8185xf32>
    %slice3A_5 = vector.extract_strided_slice %get3A_4 {offsets = [0, 7], sizes = [8, 8185], strides = [1, 1]} : vector<8x8192xf32> to vector<8x8185xf32>
    %mul3A = arith.mulf %slice3A, %slice3A_5 : vector<8x8185xf32>
    %sqrt3A = math.sqrt %mul3A : vector<8x8185xf32>
    %bitcast_convert_type3A = tpu.bitcast %sqrt3A : vector<8x8185xf32> -> vector<8x8185xi32>
    %ge3A = arith.constant 1.000000e-01 : f32
    %ge3A_6 = vector.broadcast %ge3A : f32 to vector<8x8185xf32>
    %ge3A_7 = arith.cmpf oge, %sqrt3A, %ge3A_6 : vector<8x8185xf32>
    %jit3A = arith.constant 0 : i32
    %broadcast_in_dim3A = vector.broadcast %jit3A : i32 to vector<8x8185xi32>
    %select_n3A = arith.select %ge3A_7, %bitcast_convert_type3A, %broadcast_in_dim3A : vector<8x8185xi1>, vector<8x8185xi32>
    %broadcast_in_dim3A_8 = arith.constant 0 : i32
    %broadcast_in_dim3A_9 = vector.broadcast %broadcast_in_dim3A_8 : i32 to vector<8x7xi32>
    %slice3A_10 = vector.extract_strided_slice %get3A_1 {offsets = [0, 0], sizes = [8, 8177], strides = [1, 1]} : vector<8x8192xf32> to vector<8x8177xf32>
    %slice3A_11 = vector.extract_strided_slice %get3A_4 {offsets = [0, 15], sizes = [8, 8177], strides = [1, 1]} : vector<8x8192xf32> to vector<8x8177xf32>
    %mul3A_12 = arith.mulf %slice3A_10, %slice3A_11 : vector<8x8177xf32>
    %sqrt3A_13 = math.sqrt %mul3A_12 : vector<8x8177xf32>
    %bitcast_convert_type3A_14 = tpu.bitcast %sqrt3A_13 : vector<8x8177xf32> -> vector<8x8177xi32>
    %ge3A_15 = arith.constant 1.000000e-01 : f32
    %ge3A_16 = vector.broadcast %ge3A_15 : f32 to vector<8x8177xf32>
    %ge3A_17 = arith.cmpf oge, %sqrt3A_13, %ge3A_16 : vector<8x8177xf32>
    %jit3A_18 = arith.constant 0 : i32
    %broadcast_in_dim3A_19 = vector.broadcast %jit3A_18 : i32 to vector<8x8177xi32>
    %select_n3A_20 = arith.select %ge3A_17, %bitcast_convert_type3A_14, %broadcast_in_dim3A_19 : vector<8x8177xi1>, vector<8x8177xi32>
    %broadcast_in_dim3A_21 = arith.constant 0 : i32
    %broadcast_in_dim3A_22 = vector.broadcast %broadcast_in_dim3A_21 : i32 to vector<8x15xi32>
    %slice3A_23 = vector.extract_strided_slice %get3A_1 {offsets = [0, 0], sizes = [8, 8161], strides = [1, 1]} : vector<8x8192xf32> to vector<8x8161xf32>
    %slice3A_24 = vector.extract_strided_slice %get3A_4 {offsets = [0, 31], sizes = [8, 8161], strides = [1, 1]} : vector<8x8192xf32> to vector<8x8161xf32>
    %mul3A_25 = arith.mulf %slice3A_23, %slice3A_24 : vector<8x8161xf32>
    %sqrt3A_26 = math.sqrt %mul3A_25 : vector<8x8161xf32>
    %bitcast_convert_type3A_27 = tpu.bitcast %sqrt3A_26 : vector<8x8161xf32> -> vector<8x8161xi32>
    %ge3A_28 = arith.constant 1.000000e-01 : f32
    %ge3A_29 = vector.broadcast %ge3A_28 : f32 to vector<8x8161xf32>
    %ge3A_30 = arith.cmpf oge, %sqrt3A_26, %ge3A_29 : vector<8x8161xf32>
    %jit3A_31 = arith.constant 0 : i32
    %broadcast_in_dim3A_32 = vector.broadcast %jit3A_31 : i32 to vector<8x8161xi32>
    %select_n3A_33 = arith.select %ge3A_30, %bitcast_convert_type3A_27, %broadcast_in_dim3A_32 : vector<8x8161xi1>, vector<8x8161xi32>
    %broadcast_in_dim3A_34 = arith.constant 0 : i32
    %broadcast_in_dim3A_35 = vector.broadcast %broadcast_in_dim3A_34 : i32 to vector<8x31xi32>
    %slice3A_36 = vector.extract_strided_slice %get3A_1 {offsets = [0, 0], sizes = [8, 8129], strides = [1, 1]} : vector<8x8192xf32> to vector<8x8129xf32>
    %slice3A_37 = vector.extract_strided_slice %get3A_4 {offsets = [0, 63], sizes = [8, 8129], strides = [1, 1]} : vector<8x8192xf32> to vector<8x8129xf32>
    %mul3A_38 = arith.mulf %slice3A_36, %slice3A_37 : vector<8x8129xf32>
    %sqrt3A_39 = math.sqrt %mul3A_38 : vector<8x8129xf32>
    %bitcast_convert_type3A_40 = tpu.bitcast %sqrt3A_39 : vector<8x8129xf32> -> vector<8x8129xi32>
    %ge3A_41 = arith.constant 1.000000e-01 : f32
    %ge3A_42 = vector.broadcast %ge3A_41 : f32 to vector<8x8129xf32>
    %ge3A_43 = arith.cmpf oge, %sqrt3A_39, %ge3A_42 : vector<8x8129xf32>
    %jit3A_44 = arith.constant 0 : i32
    %broadcast_in_dim3A_45 = vector.broadcast %jit3A_44 : i32 to vector<8x8129xi32>
    %select_n3A_46 = arith.select %ge3A_43, %bitcast_convert_type3A_40, %broadcast_in_dim3A_45 : vector<8x8129xi1>, vector<8x8129xi32>
    %broadcast_in_dim3A_47 = arith.constant 0 : i32
    %broadcast_in_dim3A_48 = vector.broadcast %broadcast_in_dim3A_47 : i32 to vector<8x63xi32>
    %slice3A_49 = vector.extract_strided_slice %get3A_1 {offsets = [0, 0], sizes = [8, 8065], strides = [1, 1]} : vector<8x8192xf32> to vector<8x8065xf32>
    %slice3A_50 = vector.extract_strided_slice %get3A_4 {offsets = [0, 127], sizes = [8, 8065], strides = [1, 1]} : vector<8x8192xf32> to vector<8x8065xf32>
    %mul3A_51 = arith.mulf %slice3A_49, %slice3A_50 : vector<8x8065xf32>
    %sqrt3A_52 = math.sqrt %mul3A_51 : vector<8x8065xf32>
    %bitcast_convert_type3A_53 = tpu.bitcast %sqrt3A_52 : vector<8x8065xf32> -> vector<8x8065xi32>
    %ge3A_54 = arith.constant 1.000000e-01 : f32
    %ge3A_55 = vector.broadcast %ge3A_54 : f32 to vector<8x8065xf32>
    %ge3A_56 = arith.cmpf oge, %sqrt3A_52, %ge3A_55 : vector<8x8065xf32>
    %jit3A_57 = arith.constant 0 : i32
    %broadcast_in_dim3A_58 = vector.broadcast %jit3A_57 : i32 to vector<8x8065xi32>
    %select_n3A_59 = arith.select %ge3A_56, %bitcast_convert_type3A_53, %broadcast_in_dim3A_58 : vector<8x8065xi1>, vector<8x8065xi32>
    %broadcast_in_dim3A_60 = arith.constant 0 : i32
    %broadcast_in_dim3A_61 = vector.broadcast %broadcast_in_dim3A_60 : i32 to vector<8x127xi32>
    %slice3A_62 = vector.extract_strided_slice %get3A_1 {offsets = [0, 0], sizes = [8, 7937], strides = [1, 1]} : vector<8x8192xf32> to vector<8x7937xf32>
    %slice3A_63 = vector.extract_strided_slice %get3A_4 {offsets = [0, 255], sizes = [8, 7937], strides = [1, 1]} : vector<8x8192xf32> to vector<8x7937xf32>
    %mul3A_64 = arith.mulf %slice3A_62, %slice3A_63 : vector<8x7937xf32>
    %sqrt3A_65 = math.sqrt %mul3A_64 : vector<8x7937xf32>
    %bitcast_convert_type3A_66 = tpu.bitcast %sqrt3A_65 : vector<8x7937xf32> -> vector<8x7937xi32>
    %ge3A_67 = arith.constant 1.000000e-01 : f32
    %ge3A_68 = vector.broadcast %ge3A_67 : f32 to vector<8x7937xf32>
    %ge3A_69 = arith.cmpf oge, %sqrt3A_65, %ge3A_68 : vector<8x7937xf32>
    %jit3A_70 = arith.constant 0 : i32
    %broadcast_in_dim3A_71 = vector.broadcast %jit3A_70 : i32 to vector<8x7937xi32>
    %select_n3A_72 = arith.select %ge3A_69, %bitcast_convert_type3A_66, %broadcast_in_dim3A_71 : vector<8x7937xi1>, vector<8x7937xi32>
    %broadcast_in_dim3A_73 = arith.constant 0 : i32
    %broadcast_in_dim3A_74 = vector.broadcast %broadcast_in_dim3A_73 : i32 to vector<8x255xi32>
    %concatenate3A = tpu.concatenate %select_n3A, %broadcast_in_dim3A_9, %select_n3A_20, %broadcast_in_dim3A_22, %select_n3A_33, %broadcast_in_dim3A_35, %select_n3A_46, %broadcast_in_dim3A_48, %select_n3A_59, %broadcast_in_dim3A_61, %select_n3A_72, %broadcast_in_dim3A_74 in 1 : vector<8x8185xi32>, vector<8x7xi32>, vector<8x8177xi32>, vector<8x15xi32>, vector<8x8161xi32>, vector<8x31xi32>, vector<8x8129xi32>, vector<8x63xi32>, vector<8x8065xi32>, vector<8x127xi32>, vector<8x7937xi32>, vector<8x255xi32> -> vector<8x49152xi32>
    %swap3A = arith.constant 0 : index
    %swap3A_75 = arith.constant 0 : index
    %swap3A_76 = vector.load %arg3[%swap3A, %swap3A_75] : memref<8x49152xi32, #tpu.memory_space<vmem>>, vector<8x49152xi32>
    tpu.vector_store %arg3[%swap3A, %swap3A_75], %concatenate3A {strides = array<i32>} : memref<8x49152xi32, #tpu.memory_space<vmem>>, vector<8x49152xi32>,
    %broadcast_in_dim3A_77 = arith.constant 1036831948 : i32
    %broadcast_in_dim3A_78 = vector.broadcast %broadcast_in_dim3A_77 : i32 to vector<8x1xi32>
    %broadcast_in_dim3A_79 = arith.constant 1065353216 : i32
    %broadcast_in_dim3A_80 = vector.broadcast %broadcast_in_dim3A_79 : i32 to vector<8x1xi32>
    %broadcast_in_dim3A_81 = arith.constant 0 : i32
    %broadcast_in_dim3A_82 = vector.broadcast %broadcast_in_dim3A_81 : i32 to vector<8x1xi32>
    %while3A = arith.constant 0 : i32
    %while3A_83:5 = scf.while (%while3A_92 = %while3A, %while3A_93 = %broadcast_in_dim3A_78, %while3A_94 = %broadcast_in_dim3A_80, %while3A_95 = %broadcast_in_dim3A_80, %while3A_96 = %broadcast_in_dim3A_82) : (i32, vector<8x1xi32>, vector<8x1xi32>, vector<8x1xi32>, vector<8x1xi32>) -> (i32, vector<8x1xi32>, vector<8x1xi32>, vector<8x1xi32>, vector<8x1xi32>) {
      %lt3A = arith.constant 26 : i32
      %lt3A_97 = arith.cmpi slt, %while3A_92, %lt3A : i32
      %reduce_sum3A = vector.shape_cast %while3A_96 : vector<8x1xi32> to vector<1x8x1xi32>
      %reduce_sum3A_98 = arith.constant dense<0> : vector<1xi32>
      %reduce_sum3A_99 = vector.multi_reduction <add>, %reduce_sum3A, %reduce_sum3A_98 [1, 2] : vector<1x8x1xi32> to vector<1xi32>
      %reduce_sum3A_100 = vector.shape_cast %reduce_sum3A_99 : vector<1xi32> to vector<1x1x1xi32>
      %reduce_sum3A_101 = vector.extract %reduce_sum3A_100[0, 0, 0] : i32 from vector<1x1x1xi32>
      %lt3A_102 = arith.constant 8 : i32
      %lt3A_103 = arith.cmpi slt, %reduce_sum3A_101, %lt3A_102 : i32
      %and3A = arith.andi %lt3A_97, %lt3A_103 : i1
      scf.condition(%and3A) %while3A_92, %while3A_93, %while3A_94, %while3A_95, %while3A_96 : i32, vector<8x1xi32>, vector<8x1xi32>, vector<8x1xi32>, vector<8x1xi32>
    } do {
    ^bb0(%while3A_92: i32, %while3A_93: vector<8x1xi32>, %while3A_94: vector<8x1xi32>, %while3A_95: vector<8x1xi32>, %while3A_96: vector<8x1xi32>):
      %add3A = arith.addi %while3A_93, %while3A_94 : vector<8x1xi32>
      %shift_right_arithmetic3A = arith.constant 1 : i32
      %shift_right_arithmetic3A_97 = vector.broadcast %shift_right_arithmetic3A : i32 to vector<8x1xi32>
      %shift_right_arithmetic3A_98 = arith.shrsi %add3A, %shift_right_arithmetic3A_97 : vector<8x1xi32>
      %gt3A_99 = vector.broadcast %shift_right_arithmetic3A_98 : vector<8x1xi32> to vector<8x49152xi32>
      %gt3A_100 = arith.cmpi sgt, %concatenate3A, %gt3A_99 : vector<8x49152xi32>
      %convert_element_type3A = arith.extui %gt3A_100 : vector<8x49152xi1> to vector<8x49152xi32>
      %reduce_sum3A = arith.constant dense<0> : vector<8xi32>
      %reduce_sum3A_101 = vector.multi_reduction <add>, %convert_element_type3A, %reduce_sum3A [1] : vector<8x49152xi32> to vector<8xi32>
      %broadcast_in_dim3A_102 = vector.shape_cast %reduce_sum3A_101 : vector<8xi32> to vector<8x1xi32>
      %lt3A = arith.constant 1000 : i32
      %lt3A_103 = vector.broadcast %lt3A : i32 to vector<8x1xi32>
      %lt3A_104 = arith.cmpi slt, %broadcast_in_dim3A_102, %lt3A_103 : vector<8x1xi32>
      %gt3A_105 = arith.constant 0 : i32
      %gt3A_106 = vector.broadcast %gt3A_105 : i32 to vector<8x1xi32>
      %gt3A_107 = arith.cmpi sgt, %while3A_96, %gt3A_106 : vector<8x1xi32>
      %ge3A_108 = arith.constant 1000 : i32
      %ge3A_109 = vector.broadcast %ge3A_108 : i32 to vector<8x1xi32>
      %ge3A_110 = arith.cmpi sge, %broadcast_in_dim3A_102, %ge3A_109 : vector<8x1xi32>
      %le3A = arith.constant 1024 : i32
      %le3A_111 = vector.broadcast %le3A : i32 to vector<8x1xi32>
      %le3A_112 = arith.cmpi sle, %broadcast_in_dim3A_102, %le3A_111 : vector<8x1xi32>
      %and3A = arith.andi %ge3A_110, %le3A_112 : vector<8x1xi1>
      %not3A = arith.constant dense<true> : vector<8x1xi1>
      %not3A_113 = arith.xori %gt3A_107, %not3A : vector<8x1xi1>
      %and3A_114 = arith.andi %and3A, %not3A_113 : vector<8x1xi1>
      %or3A = arith.ori %gt3A_107, %and3A_114 : vector<8x1xi1>
      %add3A_115 = arith.constant 1 : i32
      %add3A_116 = vector.broadcast %add3A_115 : i32 to vector<8x1xi32>
      %add3A_117 = arith.addi %shift_right_arithmetic3A_98, %add3A_116 : vector<8x1xi32>
      %select_n3A_118 = arith.select %lt3A_104, %while3A_93, %add3A_117 : vector<8x1xi1>, vector<8x1xi32>
      %select_n3A_119 = arith.select %or3A, %while3A_93, %select_n3A_118 : vector<8x1xi1>, vector<8x1xi32>
      %select_n3A_120 = arith.select %lt3A_104, %shift_right_arithmetic3A_98, %while3A_94 : vector<8x1xi1>, vector<8x1xi32>
      %select_n3A_121 = arith.select %or3A, %while3A_94, %select_n3A_120 : vector<8x1xi1>, vector<8x1xi32>
      %add3A_122 = arith.constant 1 : i32
      %add3A_123 = vector.broadcast %add3A_122 : i32 to vector<8x1xi32>
      %add3A_124 = arith.addi %shift_right_arithmetic3A_98, %add3A_123 : vector<8x1xi32>
      %select_n3A_125 = arith.select %and3A_114, %add3A_124, %while3A_95 : vector<8x1xi1>, vector<8x1xi32>
      %ge3A_126 = arith.cmpi sge, %select_n3A_119, %select_n3A_121 : vector<8x1xi32>
      %not3A_127 = arith.constant dense<true> : vector<8x1xi1>
      %not3A_128 = arith.xori %or3A, %not3A_127 : vector<8x1xi1>
      %and3A_129 = arith.andi %ge3A_126, %not3A_128 : vector<8x1xi1>
      %select_n3A_130 = arith.select %and3A_129, %select_n3A_121, %select_n3A_125 : vector<8x1xi1>, vector<8x1xi32>
      %or3A_131 = arith.ori %and3A_114, %and3A_129 : vector<8x1xi1>
      %jit3A_132 = arith.constant 1 : i32
      %broadcast_in_dim3A_133 = vector.broadcast %jit3A_132 : i32 to vector<8x1xi32>
      %select_n3A_134 = arith.select %or3A_131, %broadcast_in_dim3A_133, %while3A_96 : vector<8x1xi1>, vector<8x1xi32>
      %add3A_135 = arith.constant 1 : i32
      %add3A_136 = arith.addi %while3A_92, %add3A_135 : i32
      scf.yield %add3A_136, %select_n3A_119, %select_n3A_121, %select_n3A_130, %select_n3A_134 : i32, vector<8x1xi32>, vector<8x1xi32>, vector<8x1xi32>, vector<8x1xi32>
    }
    %gt3A = arith.constant 0 : i32
    %gt3A_84 = vector.broadcast %gt3A : i32 to vector<8x1xi32>
    %gt3A_85 = arith.cmpi sgt, %while3A_83#4, %gt3A_84 : vector<8x1xi32>
    %select_n3A_86 = arith.select %gt3A_85, %while3A_83#3, %while3A_83#2 : vector<8x1xi1>, vector<8x1xi32>
    %broadcast_in_dim3A_87 = vector.shape_cast %select_n3A_86 : vector<8x1xi32> to vector<8x1xi32>
    %broadcast_in_dim3A_88 = vector.broadcast %broadcast_in_dim3A_87 : vector<8x1xi32> to vector<8x16xi32>
    %swap3A_89 = arith.constant 0 : index
    %swap3A_90 = arith.constant 0 : index
    %swap3A_91 = vector.load %arg4[%swap3A_89, %swap3A_90] : memref<8x16xi32, #tpu.memory_space<vmem>>, vector<8x16xi32>
    tpu.vector_store %arg4[%swap3A_89, %swap3A_90], %broadcast_in_dim3A_88 {strides = array<i32>} : memref<8x16xi32, #tpu.memory_space<vmem>>, vector<8x16xi32>,
    return
  }
  func.func @transform_0(%arg0: i32) -> (i32, i32) {
    %c0_i32 = arith.constant 0 : i32
    %c0_i32_0 = arith.constant 0 : i32
    return %arg0, %c0_i32 : i32, i32
  }
  func.func @transform_1(%arg0: i32) -> (i32, i32) {
    %c0_i32 = arith.constant 0 : i32
    %c0_i32_0 = arith.constant 0 : i32
    return %arg0, %c0_i32 : i32, i32
  }
  func.func @transform_2(%arg0: i32) -> (i32, i32) {
    %c0_i32 = arith.constant 0 : i32
    %c0_i32_0 = arith.constant 0 : i32
    return %arg0, %c0_i32 : i32, i32
  }
  func.func @transform_3(%arg0: i32) -> (i32, i32) {
    %c0_i32 = arith.constant 0 : i32
    %c0_i32_0 = arith.constant 0 : i32
    return %arg0, %c0_i32 : i32, i32
  }
}

module attributes {stable_mosaic.version = 14 : i64} {
  func.func @_rank_vals_body(%arg0: i32, %arg1: memref<4x1x1024xi32, #tpu.memory_space<vmem>>, %arg2: memref<4x1x1024xi32, #tpu.memory_space<vmem>>, %arg3: memref<4x1024x1xi32, #tpu.memory_space<vmem>>, %arg4: memref<4x1024x1xi32, #tpu.memory_space<vmem>>, %arg5: memref<4x3x1024xf32, #tpu.memory_space<vmem>>) attributes {dimension_semantics = [#tpu.dimension_semantics<parallel>], iteration_bounds = array<i64: 16>, scalar_prefetch = 0 : i64, scratch_operands = 0 : i64, tpu.core_type = #tpu.core_type<tc>, window_params = [{transform_indices = @transform_0, window_bounds = array<i64: 4, 1, 1024>}, {transform_indices = @transform_1, window_bounds = array<i64: 4, 1, 1024>}, {transform_indices = @transform_2, window_bounds = array<i64: 4, 1024, 1>}, {transform_indices = @transform_3, window_bounds = array<i64: 4, 1024, 1>}, {transform_indices = @transform_4, window_bounds = array<i64: 4, 3, 1024>}]} {
    %iota3A = tpu.iota {dimensions = array<i32: 1>} : vector<1024x1024xi32>
    %iota3A_0 = tpu.iota {dimensions = array<i32: 0>} : vector<1024x1024xi32>
    %lt3A = arith.cmpi slt, %iota3A, %iota3A_0 : vector<1024x1024xi32>
    %get3A = arith.constant 0 : index
    %get3A_1 = arith.constant 0 : index
    %get3A_2 = arith.constant 0 : index
    %get3A_3 = vector.load %arg2[%get3A, %get3A_1, %get3A_2] : memref<4x1x1024xi32, #tpu.memory_space<vmem>>, vector<1x1x1024xi32>
    %get3A_4 = vector.shape_cast %get3A_3 : vector<1x1x1024xi32> to vector<1x1024xi32>
    %get3A_5 = arith.constant 0 : index
    %get3A_6 = arith.constant 0 : index
    %get3A_7 = arith.constant 0 : index
    %get3A_8 = vector.load %arg1[%get3A_5, %get3A_6, %get3A_7] : memref<4x1x1024xi32, #tpu.memory_space<vmem>>, vector<1x1x1024xi32>
    %get3A_9 = vector.shape_cast %get3A_8 : vector<1x1x1024xi32> to vector<1x1024xi32>
    %get3A_10 = arith.constant 0 : index
    %get3A_11 = arith.constant 0 : index
    %get3A_12 = arith.constant 0 : index
    %get3A_13 = vector.load %arg3[%get3A_10, %get3A_11, %get3A_12] : memref<4x1024x1xi32, #tpu.memory_space<vmem>>, vector<1x1024x1xi32>
    %get3A_14 = vector.shape_cast %get3A_13 : vector<1x1024x1xi32> to vector<1024x1xi32>
    %gt3A = vector.broadcast %get3A_4 : vector<1x1024xi32> to vector<1024x1024xi32>
    %gt3A_15 = vector.broadcast %get3A_14 : vector<1024x1xi32> to vector<1024x1024xi32>
    %gt3A_16 = arith.cmpi sgt, %gt3A, %gt3A_15 : vector<1024x1024xi32>
    %eq3A = vector.broadcast %get3A_4 : vector<1x1024xi32> to vector<1024x1024xi32>
    %eq3A_17 = vector.broadcast %get3A_14 : vector<1024x1xi32> to vector<1024x1024xi32>
    %eq3A_18 = arith.cmpi eq, %eq3A, %eq3A_17 : vector<1024x1024xi32>
    %and3A = arith.andi %eq3A_18, %lt3A : vector<1024x1024xi1>
    %or3A = arith.ori %gt3A_16, %and3A : vector<1024x1024xi1>
    %convert_element_type3A = arith.extui %or3A : vector<1024x1024xi1> to vector<1024x1024xi32>
    %reduce_sum3A = arith.constant dense<0> : vector<1024xi32>
    %reduce_sum3A_19 = vector.multi_reduction <add>, %convert_element_type3A, %reduce_sum3A [1] : vector<1024x1024xi32> to vector<1024xi32>
    %broadcast_in_dim3A = vector.shape_cast %reduce_sum3A_19 : vector<1024xi32> to vector<1024x1xi32>
    %swap3A = arith.constant 0 : index
    %swap3A_20 = arith.constant 0 : index
    %swap3A_21 = arith.constant 0 : index
    %swap3A_22 = vector.load %arg4[%swap3A, %swap3A_20, %swap3A_21] : memref<4x1024x1xi32, #tpu.memory_space<vmem>>, vector<1x1024x1xi32>
    %swap3A_23 = vector.shape_cast %swap3A_22 : vector<1x1024x1xi32> to vector<1024x1xi32>
    %swap3A_24 = vector.shape_cast %broadcast_in_dim3A : vector<1024x1xi32> to vector<1x1024x1xi32>
    tpu.vector_store %arg4[%swap3A, %swap3A_20, %swap3A_21], %swap3A_24 {strides = array<i32>} : memref<4x1024x1xi32, #tpu.memory_space<vmem>>, vector<1x1024x1xi32>,
    %shift_right_logical3A = arith.constant 13 : i32
    %shift_right_logical3A_25 = vector.broadcast %shift_right_logical3A : i32 to vector<1x1024xi32>
    %shift_right_logical3A_26 = arith.shrui %get3A_9, %shift_right_logical3A_25 : vector<1x1024xi32>
    %min3A = arith.constant 5 : i32
    %min3A_27 = vector.broadcast %min3A : i32 to vector<1x1024xi32>
    %min3A_28 = arith.minsi %shift_right_logical3A_26, %min3A_27 : vector<1x1024xi32>
    %shift_left3A = arith.constant 8 : i32
    %shift_left3A_29 = vector.broadcast %shift_left3A : i32 to vector<1x1024xi32>
    %shift_left3A_30 = arith.shli %shift_left3A_29, %min3A_28 : vector<1x1024xi32>
    %and3A_31 = arith.constant 8191 : i32
    %and3A_32 = vector.broadcast %and3A_31 : i32 to vector<1x1024xi32>
    %and3A_33 = arith.andi %get3A_9, %and3A_32 : vector<1x1024xi32>
    %ge3A = arith.constant 1036831949 : i32
    %ge3A_34 = vector.broadcast %ge3A : i32 to vector<1x1024xi32>
    %ge3A_35 = arith.cmpi sge, %get3A_4, %ge3A_34 : vector<1x1024xi32>
    %convert_element_type3A_36 = arith.sitofp %and3A_33 : vector<1x1024xi32> to vector<1x1024xf32>
    %jit3A = arith.constant 0.000000e+00 : f32
    %broadcast_in_dim3A_37 = vector.broadcast %jit3A : f32 to vector<1x1024xf32>
    %select_n3A = arith.select %ge3A_35, %convert_element_type3A_36, %broadcast_in_dim3A_37 : vector<1x1024xi1>, vector<1x1024xf32>
    %add3A = arith.addi %and3A_33, %shift_left3A_30 : vector<1x1024xi32>
    %convert_element_type3A_38 = arith.sitofp %add3A : vector<1x1024xi32> to vector<1x1024xf32>
    %jit3A_39 = arith.constant 8.192000e+03 : f32
    %broadcast_in_dim3A_40 = vector.broadcast %jit3A_39 : f32 to vector<1x1024xf32>
    %select_n3A_41 = arith.select %ge3A_35, %convert_element_type3A_38, %broadcast_in_dim3A_40 : vector<1x1024xi1>, vector<1x1024xf32>
    %bitcast_convert_type3A = tpu.bitcast %get3A_4 : vector<1x1024xi32> -> vector<1x1024xf32>
    %jit3A_42 = arith.constant 0.000000e+00 : f32
    %broadcast_in_dim3A_43 = vector.broadcast %jit3A_42 : f32 to vector<1x1024xf32>
    %select_n3A_44 = arith.select %ge3A_35, %bitcast_convert_type3A, %broadcast_in_dim3A_43 : vector<1x1024xi1>, vector<1x1024xf32>
    %concatenate3A = tpu.concatenate %select_n3A, %select_n3A_41, %select_n3A_44 in 0 : vector<1x1024xf32>, vector<1x1024xf32>, vector<1x1024xf32> -> vector<3x1024xf32>
    %swap3A_45 = arith.constant 0 : index
    %swap3A_46 = arith.constant 0 : index
    %swap3A_47 = arith.constant 0 : index
    %swap3A_48 = vector.load %arg5[%swap3A_45, %swap3A_46, %swap3A_47] : memref<4x3x1024xf32, #tpu.memory_space<vmem>>, vector<1x3x1024xf32>
    %swap3A_49 = vector.shape_cast %swap3A_48 : vector<1x3x1024xf32> to vector<3x1024xf32>
    %swap3A_50 = vector.shape_cast %concatenate3A : vector<3x1024xf32> to vector<1x3x1024xf32>
    tpu.vector_store %arg5[%swap3A_45, %swap3A_46, %swap3A_47], %swap3A_50 {strides = array<i32>} : memref<4x3x1024xf32, #tpu.memory_space<vmem>>, vector<1x3x1024xf32>,
    %get3A_51 = arith.constant 1 : index
    %get3A_52 = arith.constant 0 : index
    %get3A_53 = arith.constant 0 : index
    %get3A_54 = vector.load %arg2[%get3A_51, %get3A_52, %get3A_53] : memref<4x1x1024xi32, #tpu.memory_space<vmem>>, vector<1x1x1024xi32>
    %get3A_55 = vector.shape_cast %get3A_54 : vector<1x1x1024xi32> to vector<1x1024xi32>
    %get3A_56 = arith.constant 1 : index
    %get3A_57 = arith.constant 0 : index
    %get3A_58 = arith.constant 0 : index
    %get3A_59 = vector.load %arg1[%get3A_56, %get3A_57, %get3A_58] : memref<4x1x1024xi32, #tpu.memory_space<vmem>>, vector<1x1x1024xi32>
    %get3A_60 = vector.shape_cast %get3A_59 : vector<1x1x1024xi32> to vector<1x1024xi32>
    %get3A_61 = arith.constant 1 : index
    %get3A_62 = arith.constant 0 : index
    %get3A_63 = arith.constant 0 : index
    %get3A_64 = vector.load %arg3[%get3A_61, %get3A_62, %get3A_63] : memref<4x1024x1xi32, #tpu.memory_space<vmem>>, vector<1x1024x1xi32>
    %get3A_65 = vector.shape_cast %get3A_64 : vector<1x1024x1xi32> to vector<1024x1xi32>
    %gt3A_66 = vector.broadcast %get3A_55 : vector<1x1024xi32> to vector<1024x1024xi32>
    %gt3A_67 = vector.broadcast %get3A_65 : vector<1024x1xi32> to vector<1024x1024xi32>
    %gt3A_68 = arith.cmpi sgt, %gt3A_66, %gt3A_67 : vector<1024x1024xi32>
    %eq3A_69 = vector.broadcast %get3A_55 : vector<1x1024xi32> to vector<1024x1024xi32>
    %eq3A_70 = vector.broadcast %get3A_65 : vector<1024x1xi32> to vector<1024x1024xi32>
    %eq3A_71 = arith.cmpi eq, %eq3A_69, %eq3A_70 : vector<1024x1024xi32>
    %and3A_72 = arith.andi %eq3A_71, %lt3A : vector<1024x1024xi1>
    %or3A_73 = arith.ori %gt3A_68, %and3A_72 : vector<1024x1024xi1>
    %convert_element_type3A_74 = arith.extui %or3A_73 : vector<1024x1024xi1> to vector<1024x1024xi32>
    %reduce_sum3A_75 = arith.constant dense<0> : vector<1024xi32>
    %reduce_sum3A_76 = vector.multi_reduction <add>, %convert_element_type3A_74, %reduce_sum3A_75 [1] : vector<1024x1024xi32> to vector<1024xi32>
    %broadcast_in_dim3A_77 = vector.shape_cast %reduce_sum3A_76 : vector<1024xi32> to vector<1024x1xi32>
    %swap3A_78 = arith.constant 1 : index
    %swap3A_79 = arith.constant 0 : index
    %swap3A_80 = arith.constant 0 : index
    %swap3A_81 = vector.load %arg4[%swap3A_78, %swap3A_79, %swap3A_80] : memref<4x1024x1xi32, #tpu.memory_space<vmem>>, vector<1x1024x1xi32>
    %swap3A_82 = vector.shape_cast %swap3A_81 : vector<1x1024x1xi32> to vector<1024x1xi32>
    %swap3A_83 = vector.shape_cast %broadcast_in_dim3A_77 : vector<1024x1xi32> to vector<1x1024x1xi32>
    tpu.vector_store %arg4[%swap3A_78, %swap3A_79, %swap3A_80], %swap3A_83 {strides = array<i32>} : memref<4x1024x1xi32, #tpu.memory_space<vmem>>, vector<1x1024x1xi32>,
    %shift_right_logical3A_84 = arith.constant 13 : i32
    %shift_right_logical3A_85 = vector.broadcast %shift_right_logical3A_84 : i32 to vector<1x1024xi32>
    %shift_right_logical3A_86 = arith.shrui %get3A_60, %shift_right_logical3A_85 : vector<1x1024xi32>
    %min3A_87 = arith.constant 5 : i32
    %min3A_88 = vector.broadcast %min3A_87 : i32 to vector<1x1024xi32>
    %min3A_89 = arith.minsi %shift_right_logical3A_86, %min3A_88 : vector<1x1024xi32>
    %shift_left3A_90 = arith.constant 8 : i32
    %shift_left3A_91 = vector.broadcast %shift_left3A_90 : i32 to vector<1x1024xi32>
    %shift_left3A_92 = arith.shli %shift_left3A_91, %min3A_89 : vector<1x1024xi32>
    %and3A_93 = arith.constant 8191 : i32
    %and3A_94 = vector.broadcast %and3A_93 : i32 to vector<1x1024xi32>
    %and3A_95 = arith.andi %get3A_60, %and3A_94 : vector<1x1024xi32>
    %ge3A_96 = arith.constant 1036831949 : i32
    %ge3A_97 = vector.broadcast %ge3A_96 : i32 to vector<1x1024xi32>
    %ge3A_98 = arith.cmpi sge, %get3A_55, %ge3A_97 : vector<1x1024xi32>
    %convert_element_type3A_99 = arith.sitofp %and3A_95 : vector<1x1024xi32> to vector<1x1024xf32>
    %jit3A_100 = arith.constant 0.000000e+00 : f32
    %broadcast_in_dim3A_101 = vector.broadcast %jit3A_100 : f32 to vector<1x1024xf32>
    %select_n3A_102 = arith.select %ge3A_98, %convert_element_type3A_99, %broadcast_in_dim3A_101 : vector<1x1024xi1>, vector<1x1024xf32>
    %add3A_103 = arith.addi %and3A_95, %shift_left3A_92 : vector<1x1024xi32>
    %convert_element_type3A_104 = arith.sitofp %add3A_103 : vector<1x1024xi32> to vector<1x1024xf32>
    %jit3A_105 = arith.constant 8.192000e+03 : f32
    %broadcast_in_dim3A_106 = vector.broadcast %jit3A_105 : f32 to vector<1x1024xf32>
    %select_n3A_107 = arith.select %ge3A_98, %convert_element_type3A_104, %broadcast_in_dim3A_106 : vector<1x1024xi1>, vector<1x1024xf32>
    %bitcast_convert_type3A_108 = tpu.bitcast %get3A_55 : vector<1x1024xi32> -> vector<1x1024xf32>
    %jit3A_109 = arith.constant 0.000000e+00 : f32
    %broadcast_in_dim3A_110 = vector.broadcast %jit3A_109 : f32 to vector<1x1024xf32>
    %select_n3A_111 = arith.select %ge3A_98, %bitcast_convert_type3A_108, %broadcast_in_dim3A_110 : vector<1x1024xi1>, vector<1x1024xf32>
    %concatenate3A_112 = tpu.concatenate %select_n3A_102, %select_n3A_107, %select_n3A_111 in 0 : vector<1x1024xf32>, vector<1x1024xf32>, vector<1x1024xf32> -> vector<3x1024xf32>
    %swap3A_113 = arith.constant 1 : index
    %swap3A_114 = arith.constant 0 : index
    %swap3A_115 = arith.constant 0 : index
    %swap3A_116 = vector.load %arg5[%swap3A_113, %swap3A_114, %swap3A_115] : memref<4x3x1024xf32, #tpu.memory_space<vmem>>, vector<1x3x1024xf32>
    %swap3A_117 = vector.shape_cast %swap3A_116 : vector<1x3x1024xf32> to vector<3x1024xf32>
    %swap3A_118 = vector.shape_cast %concatenate3A_112 : vector<3x1024xf32> to vector<1x3x1024xf32>
    tpu.vector_store %arg5[%swap3A_113, %swap3A_114, %swap3A_115], %swap3A_118 {strides = array<i32>} : memref<4x3x1024xf32, #tpu.memory_space<vmem>>, vector<1x3x1024xf32>,
    %get3A_119 = arith.constant 2 : index
    %get3A_120 = arith.constant 0 : index
    %get3A_121 = arith.constant 0 : index
    %get3A_122 = vector.load %arg2[%get3A_119, %get3A_120, %get3A_121] : memref<4x1x1024xi32, #tpu.memory_space<vmem>>, vector<1x1x1024xi32>
    %get3A_123 = vector.shape_cast %get3A_122 : vector<1x1x1024xi32> to vector<1x1024xi32>
    %get3A_124 = arith.constant 2 : index
    %get3A_125 = arith.constant 0 : index
    %get3A_126 = arith.constant 0 : index
    %get3A_127 = vector.load %arg1[%get3A_124, %get3A_125, %get3A_126] : memref<4x1x1024xi32, #tpu.memory_space<vmem>>, vector<1x1x1024xi32>
    %get3A_128 = vector.shape_cast %get3A_127 : vector<1x1x1024xi32> to vector<1x1024xi32>
    %get3A_129 = arith.constant 2 : index
    %get3A_130 = arith.constant 0 : index
    %get3A_131 = arith.constant 0 : index
    %get3A_132 = vector.load %arg3[%get3A_129, %get3A_130, %get3A_131] : memref<4x1024x1xi32, #tpu.memory_space<vmem>>, vector<1x1024x1xi32>
    %get3A_133 = vector.shape_cast %get3A_132 : vector<1x1024x1xi32> to vector<1024x1xi32>
    %gt3A_134 = vector.broadcast %get3A_123 : vector<1x1024xi32> to vector<1024x1024xi32>
    %gt3A_135 = vector.broadcast %get3A_133 : vector<1024x1xi32> to vector<1024x1024xi32>
    %gt3A_136 = arith.cmpi sgt, %gt3A_134, %gt3A_135 : vector<1024x1024xi32>
    %eq3A_137 = vector.broadcast %get3A_123 : vector<1x1024xi32> to vector<1024x1024xi32>
    %eq3A_138 = vector.broadcast %get3A_133 : vector<1024x1xi32> to vector<1024x1024xi32>
    %eq3A_139 = arith.cmpi eq, %eq3A_137, %eq3A_138 : vector<1024x1024xi32>
    %and3A_140 = arith.andi %eq3A_139, %lt3A : vector<1024x1024xi1>
    %or3A_141 = arith.ori %gt3A_136, %and3A_140 : vector<1024x1024xi1>
    %convert_element_type3A_142 = arith.extui %or3A_141 : vector<1024x1024xi1> to vector<1024x1024xi32>
    %reduce_sum3A_143 = arith.constant dense<0> : vector<1024xi32>
    %reduce_sum3A_144 = vector.multi_reduction <add>, %convert_element_type3A_142, %reduce_sum3A_143 [1] : vector<1024x1024xi32> to vector<1024xi32>
    %broadcast_in_dim3A_145 = vector.shape_cast %reduce_sum3A_144 : vector<1024xi32> to vector<1024x1xi32>
    %swap3A_146 = arith.constant 2 : index
    %swap3A_147 = arith.constant 0 : index
    %swap3A_148 = arith.constant 0 : index
    %swap3A_149 = vector.load %arg4[%swap3A_146, %swap3A_147, %swap3A_148] : memref<4x1024x1xi32, #tpu.memory_space<vmem>>, vector<1x1024x1xi32>
    %swap3A_150 = vector.shape_cast %swap3A_149 : vector<1x1024x1xi32> to vector<1024x1xi32>
    %swap3A_151 = vector.shape_cast %broadcast_in_dim3A_145 : vector<1024x1xi32> to vector<1x1024x1xi32>
    tpu.vector_store %arg4[%swap3A_146, %swap3A_147, %swap3A_148], %swap3A_151 {strides = array<i32>} : memref<4x1024x1xi32, #tpu.memory_space<vmem>>, vector<1x1024x1xi32>,
    %shift_right_logical3A_152 = arith.constant 13 : i32
    %shift_right_logical3A_153 = vector.broadcast %shift_right_logical3A_152 : i32 to vector<1x1024xi32>
    %shift_right_logical3A_154 = arith.shrui %get3A_128, %shift_right_logical3A_153 : vector<1x1024xi32>
    %min3A_155 = arith.constant 5 : i32
    %min3A_156 = vector.broadcast %min3A_155 : i32 to vector<1x1024xi32>
    %min3A_157 = arith.minsi %shift_right_logical3A_154, %min3A_156 : vector<1x1024xi32>
    %shift_left3A_158 = arith.constant 8 : i32
    %shift_left3A_159 = vector.broadcast %shift_left3A_158 : i32 to vector<1x1024xi32>
    %shift_left3A_160 = arith.shli %shift_left3A_159, %min3A_157 : vector<1x1024xi32>
    %and3A_161 = arith.constant 8191 : i32
    %and3A_162 = vector.broadcast %and3A_161 : i32 to vector<1x1024xi32>
    %and3A_163 = arith.andi %get3A_128, %and3A_162 : vector<1x1024xi32>
    %ge3A_164 = arith.constant 1036831949 : i32
    %ge3A_165 = vector.broadcast %ge3A_164 : i32 to vector<1x1024xi32>
    %ge3A_166 = arith.cmpi sge, %get3A_123, %ge3A_165 : vector<1x1024xi32>
    %convert_element_type3A_167 = arith.sitofp %and3A_163 : vector<1x1024xi32> to vector<1x1024xf32>
    %jit3A_168 = arith.constant 0.000000e+00 : f32
    %broadcast_in_dim3A_169 = vector.broadcast %jit3A_168 : f32 to vector<1x1024xf32>
    %select_n3A_170 = arith.select %ge3A_166, %convert_element_type3A_167, %broadcast_in_dim3A_169 : vector<1x1024xi1>, vector<1x1024xf32>
    %add3A_171 = arith.addi %and3A_163, %shift_left3A_160 : vector<1x1024xi32>
    %convert_element_type3A_172 = arith.sitofp %add3A_171 : vector<1x1024xi32> to vector<1x1024xf32>
    %jit3A_173 = arith.constant 8.192000e+03 : f32
    %broadcast_in_dim3A_174 = vector.broadcast %jit3A_173 : f32 to vector<1x1024xf32>
    %select_n3A_175 = arith.select %ge3A_166, %convert_element_type3A_172, %broadcast_in_dim3A_174 : vector<1x1024xi1>, vector<1x1024xf32>
    %bitcast_convert_type3A_176 = tpu.bitcast %get3A_123 : vector<1x1024xi32> -> vector<1x1024xf32>
    %jit3A_177 = arith.constant 0.000000e+00 : f32
    %broadcast_in_dim3A_178 = vector.broadcast %jit3A_177 : f32 to vector<1x1024xf32>
    %select_n3A_179 = arith.select %ge3A_166, %bitcast_convert_type3A_176, %broadcast_in_dim3A_178 : vector<1x1024xi1>, vector<1x1024xf32>
    %concatenate3A_180 = tpu.concatenate %select_n3A_170, %select_n3A_175, %select_n3A_179 in 0 : vector<1x1024xf32>, vector<1x1024xf32>, vector<1x1024xf32> -> vector<3x1024xf32>
    %swap3A_181 = arith.constant 2 : index
    %swap3A_182 = arith.constant 0 : index
    %swap3A_183 = arith.constant 0 : index
    %swap3A_184 = vector.load %arg5[%swap3A_181, %swap3A_182, %swap3A_183] : memref<4x3x1024xf32, #tpu.memory_space<vmem>>, vector<1x3x1024xf32>
    %swap3A_185 = vector.shape_cast %swap3A_184 : vector<1x3x1024xf32> to vector<3x1024xf32>
    %swap3A_186 = vector.shape_cast %concatenate3A_180 : vector<3x1024xf32> to vector<1x3x1024xf32>
    tpu.vector_store %arg5[%swap3A_181, %swap3A_182, %swap3A_183], %swap3A_186 {strides = array<i32>} : memref<4x3x1024xf32, #tpu.memory_space<vmem>>, vector<1x3x1024xf32>,
    %get3A_187 = arith.constant 3 : index
    %get3A_188 = arith.constant 0 : index
    %get3A_189 = arith.constant 0 : index
    %get3A_190 = vector.load %arg2[%get3A_187, %get3A_188, %get3A_189] : memref<4x1x1024xi32, #tpu.memory_space<vmem>>, vector<1x1x1024xi32>
    %get3A_191 = vector.shape_cast %get3A_190 : vector<1x1x1024xi32> to vector<1x1024xi32>
    %get3A_192 = arith.constant 3 : index
    %get3A_193 = arith.constant 0 : index
    %get3A_194 = arith.constant 0 : index
    %get3A_195 = vector.load %arg1[%get3A_192, %get3A_193, %get3A_194] : memref<4x1x1024xi32, #tpu.memory_space<vmem>>, vector<1x1x1024xi32>
    %get3A_196 = vector.shape_cast %get3A_195 : vector<1x1x1024xi32> to vector<1x1024xi32>
    %get3A_197 = arith.constant 3 : index
    %get3A_198 = arith.constant 0 : index
    %get3A_199 = arith.constant 0 : index
    %get3A_200 = vector.load %arg3[%get3A_197, %get3A_198, %get3A_199] : memref<4x1024x1xi32, #tpu.memory_space<vmem>>, vector<1x1024x1xi32>
    %get3A_201 = vector.shape_cast %get3A_200 : vector<1x1024x1xi32> to vector<1024x1xi32>
    %gt3A_202 = vector.broadcast %get3A_191 : vector<1x1024xi32> to vector<1024x1024xi32>
    %gt3A_203 = vector.broadcast %get3A_201 : vector<1024x1xi32> to vector<1024x1024xi32>
    %gt3A_204 = arith.cmpi sgt, %gt3A_202, %gt3A_203 : vector<1024x1024xi32>
    %eq3A_205 = vector.broadcast %get3A_191 : vector<1x1024xi32> to vector<1024x1024xi32>
    %eq3A_206 = vector.broadcast %get3A_201 : vector<1024x1xi32> to vector<1024x1024xi32>
    %eq3A_207 = arith.cmpi eq, %eq3A_205, %eq3A_206 : vector<1024x1024xi32>
    %and3A_208 = arith.andi %eq3A_207, %lt3A : vector<1024x1024xi1>
    %or3A_209 = arith.ori %gt3A_204, %and3A_208 : vector<1024x1024xi1>
    %convert_element_type3A_210 = arith.extui %or3A_209 : vector<1024x1024xi1> to vector<1024x1024xi32>
    %reduce_sum3A_211 = arith.constant dense<0> : vector<1024xi32>
    %reduce_sum3A_212 = vector.multi_reduction <add>, %convert_element_type3A_210, %reduce_sum3A_211 [1] : vector<1024x1024xi32> to vector<1024xi32>
    %broadcast_in_dim3A_213 = vector.shape_cast %reduce_sum3A_212 : vector<1024xi32> to vector<1024x1xi32>
    %swap3A_214 = arith.constant 3 : index
    %swap3A_215 = arith.constant 0 : index
    %swap3A_216 = arith.constant 0 : index
    %swap3A_217 = vector.load %arg4[%swap3A_214, %swap3A_215, %swap3A_216] : memref<4x1024x1xi32, #tpu.memory_space<vmem>>, vector<1x1024x1xi32>
    %swap3A_218 = vector.shape_cast %swap3A_217 : vector<1x1024x1xi32> to vector<1024x1xi32>
    %swap3A_219 = vector.shape_cast %broadcast_in_dim3A_213 : vector<1024x1xi32> to vector<1x1024x1xi32>
    tpu.vector_store %arg4[%swap3A_214, %swap3A_215, %swap3A_216], %swap3A_219 {strides = array<i32>} : memref<4x1024x1xi32, #tpu.memory_space<vmem>>, vector<1x1024x1xi32>,
    %shift_right_logical3A_220 = arith.constant 13 : i32
    %shift_right_logical3A_221 = vector.broadcast %shift_right_logical3A_220 : i32 to vector<1x1024xi32>
    %shift_right_logical3A_222 = arith.shrui %get3A_196, %shift_right_logical3A_221 : vector<1x1024xi32>
    %min3A_223 = arith.constant 5 : i32
    %min3A_224 = vector.broadcast %min3A_223 : i32 to vector<1x1024xi32>
    %min3A_225 = arith.minsi %shift_right_logical3A_222, %min3A_224 : vector<1x1024xi32>
    %shift_left3A_226 = arith.constant 8 : i32
    %shift_left3A_227 = vector.broadcast %shift_left3A_226 : i32 to vector<1x1024xi32>
    %shift_left3A_228 = arith.shli %shift_left3A_227, %min3A_225 : vector<1x1024xi32>
    %and3A_229 = arith.constant 8191 : i32
    %and3A_230 = vector.broadcast %and3A_229 : i32 to vector<1x1024xi32>
    %and3A_231 = arith.andi %get3A_196, %and3A_230 : vector<1x1024xi32>
    %ge3A_232 = arith.constant 1036831949 : i32
    %ge3A_233 = vector.broadcast %ge3A_232 : i32 to vector<1x1024xi32>
    %ge3A_234 = arith.cmpi sge, %get3A_191, %ge3A_233 : vector<1x1024xi32>
    %convert_element_type3A_235 = arith.sitofp %and3A_231 : vector<1x1024xi32> to vector<1x1024xf32>
    %jit3A_236 = arith.constant 0.000000e+00 : f32
    %broadcast_in_dim3A_237 = vector.broadcast %jit3A_236 : f32 to vector<1x1024xf32>
    %select_n3A_238 = arith.select %ge3A_234, %convert_element_type3A_235, %broadcast_in_dim3A_237 : vector<1x1024xi1>, vector<1x1024xf32>
    %add3A_239 = arith.addi %and3A_231, %shift_left3A_228 : vector<1x1024xi32>
    %convert_element_type3A_240 = arith.sitofp %add3A_239 : vector<1x1024xi32> to vector<1x1024xf32>
    %jit3A_241 = arith.constant 8.192000e+03 : f32
    %broadcast_in_dim3A_242 = vector.broadcast %jit3A_241 : f32 to vector<1x1024xf32>
    %select_n3A_243 = arith.select %ge3A_234, %convert_element_type3A_240, %broadcast_in_dim3A_242 : vector<1x1024xi1>, vector<1x1024xf32>
    %bitcast_convert_type3A_244 = tpu.bitcast %get3A_191 : vector<1x1024xi32> -> vector<1x1024xf32>
    %jit3A_245 = arith.constant 0.000000e+00 : f32
    %broadcast_in_dim3A_246 = vector.broadcast %jit3A_245 : f32 to vector<1x1024xf32>
    %select_n3A_247 = arith.select %ge3A_234, %bitcast_convert_type3A_244, %broadcast_in_dim3A_246 : vector<1x1024xi1>, vector<1x1024xf32>
    %concatenate3A_248 = tpu.concatenate %select_n3A_238, %select_n3A_243, %select_n3A_247 in 0 : vector<1x1024xf32>, vector<1x1024xf32>, vector<1x1024xf32> -> vector<3x1024xf32>
    %swap3A_249 = arith.constant 3 : index
    %swap3A_250 = arith.constant 0 : index
    %swap3A_251 = arith.constant 0 : index
    %swap3A_252 = vector.load %arg5[%swap3A_249, %swap3A_250, %swap3A_251] : memref<4x3x1024xf32, #tpu.memory_space<vmem>>, vector<1x3x1024xf32>
    %swap3A_253 = vector.shape_cast %swap3A_252 : vector<1x3x1024xf32> to vector<3x1024xf32>
    %swap3A_254 = vector.shape_cast %concatenate3A_248 : vector<3x1024xf32> to vector<1x3x1024xf32>
    tpu.vector_store %arg5[%swap3A_249, %swap3A_250, %swap3A_251], %swap3A_254 {strides = array<i32>} : memref<4x3x1024xf32, #tpu.memory_space<vmem>>, vector<1x3x1024xf32>,
    return
  }
  func.func @transform_0(%arg0: i32) -> (i32, i32, i32) {
    %c0_i32 = arith.constant 0 : i32
    %c0_i32_0 = arith.constant 0 : i32
    %c0_i32_1 = arith.constant 0 : i32
    return %arg0, %c0_i32, %c0_i32_0 : i32, i32, i32
  }
  func.func @transform_1(%arg0: i32) -> (i32, i32, i32) {
    %c0_i32 = arith.constant 0 : i32
    %c0_i32_0 = arith.constant 0 : i32
    %c0_i32_1 = arith.constant 0 : i32
    return %arg0, %c0_i32, %c0_i32_0 : i32, i32, i32
  }
  func.func @transform_2(%arg0: i32) -> (i32, i32, i32) {
    %c0_i32 = arith.constant 0 : i32
    %c0_i32_0 = arith.constant 0 : i32
    %c0_i32_1 = arith.constant 0 : i32
    return %arg0, %c0_i32, %c0_i32_0 : i32, i32, i32
  }
  func.func @transform_3(%arg0: i32) -> (i32, i32, i32) {
    %c0_i32 = arith.constant 0 : i32
    %c0_i32_0 = arith.constant 0 : i32
    %c0_i32_1 = arith.constant 0 : i32
    return %arg0, %c0_i32, %c0_i32_0 : i32, i32, i32
  }
  func.func @transform_4(%arg0: i32) -> (i32, i32, i32) {
    %c0_i32 = arith.constant 0 : i32
    %c0_i32_0 = arith.constant 0 : i32
    %c0_i32_1 = arith.constant 0 : i32
    return %arg0, %c0_i32, %c0_i32_0 : i32, i32, i32
  }
}

</mosaic_0001>

<sc_bundles>
// kernel: kernel.6.cloned.1.call-start
scs
__scs_entry_jumppad:
0x0: {  	(pc) =	sbr.rel $0x88, $3  }
0x1: {  	(tag) =	ssettag $0x0;
	lr =	simm.s32 $0x1  }
0x2: {  	[smem:$0x3F9F] =	sst lr;
	_ =	strace $0xD0000000  }
0x3: {  	_ = 	snop  }
0x4: {  	_ = 	snop  }
0x5: {  	_ = 	snop  }
0x6: {  	_ = 	snop  }
0x7: {  	_ = 	snop  }
__scs_overlays_trampoline_lowered:
0x8: {  	[smem:$0x3FAE] =	sst s0  }
0x9: {  	[smem:$0x3FAF] =	sst s1  }
0xa: {  	[smem:$0x3FB0] =	sst s2  }
0xb: {  	[smem:$0x3FB1] =	sst s3  }
0xc: {  	[smem:$0x3FB2] =	sst s4  }
0xd: {  	[smem:$0x3FB3] =	sst s5  }
0xe: {  	[smem:$0x3FB4] =	sst s6  }
0xf: {  	[smem:$0x3FB5] =	sst s7  }
0x10: {  	[smem:$0x3FB6] =	sst s8  }
0x11: {  	[smem:$0x3FB7] =	sst s9;
	s0 =	simm.s32 @!p0 $0x0  }
0x12: {  	s1 =	sld [smem:$0x3F9D];
	s0 =	simm.s32 @p0 $0x1  }
0x13: {  	[smem:$0x3FB8] =	sst s0;
	s0 =	simm.s32 @!p1 $0x0  }
0x14: {  	s2 =	sld [smem:$0x3F9C];
	s0 =	simm.s32 @p1 $0x1  }
0x15: {  	[smem:$0x3FB9] =	sst s0;
	s0 =	simm.s32 @!p2 $0x0  }
0x16: {  	s3 =	sld [smem:$0x3FDB];
	s0 =	simm.s32 @p2 $0x1  }
0x17: {  	s4 =	simm.s32 $0x1BF5;
	[smem:$0x3FBB] =	sst s0  }
0x18: {  	s0 =	sld [smem:$0x3F9E];
	_ =	swait.ge [sflag:s4], $0x0  }
0x19: {  	s7 =	sld [smem:$0x3F9F]  }
0x1a: {  	s8 =	sadd.s32 $0xFFFFE003, lr  }
0x1b: {  	s9 =	sadd.s32 $0xFFFFFEF7, lr;
	s5 =	simm.s32 $0xFFFFFFFF;
	p2 =	slt.u32 s8, $0xFFFFF086  }
0x1c: {  	p1 =	slt.u32 s9, $0xF7A;
	s5 =	simm.s32 @!p2 $0x0  }
0x1d: {  	s5 =	simm.s32 @p1 $0x1;
	p0 =	seq.s32 s7, s2  }
0x1e: {  	s7 =	smul.u32 @!p0 $0xF7A, s2;
	p2 =	seq.s32 @!p0 s5, $0x0  }
0x1f: {  	s9 =	smul.u32 $0xF7A, s1;
	s8 =	simm.s32 @!p0 $0x1BF5;
	p2 =	por !p2, p0  }
0x20: {  	[sflag:s8] =	ssyncset.s32 @!p0 $0xFFFFF086;
	s6 =	sadd.s32 @!p0 s3, s7;
	s7 =	simm.s32 @!p0 $0x108  }
0x21: {  	s3 =	sadd.s32 s3, s9;
	s6 =	sadd.s32 @!p0 $0x88, s6;
	s7 =	simm.s32 @p2 $0x1082  }
0x22: {  	[simem:s7], [sflag:s8] =	dma.local @!p0 [hbm:s6], $0xF7A  }
0x23: {  	s9 =	sor.u32 $0xD0000000, s2;
	s6 =	simm.s32 $0x108;
	_ =	swait.ge @!p0 [sflag:s8], $0x0  }
0x24: {  	s3 =	sadd.s32 $0x88, s3;
	s6 =	simm.s32 @!p1 $0x1082;
	[sflag:s4] =	ssyncset.s32 $0xFFFFF086  }
0x25: {  	[simem:s6], [sflag:s4] =	dma.local [hbm:s3], $0xF7A  }
0x26: {  	[smem:$0x3F9F] =	sst s1;
	(tag) =	ssettag s2;
	_ =	strace s9  }
0x27: {  	s1 =	sld [smem:$0x3FAF]  }
0x28: {  	s2 =	sld [smem:$0x3FB0]  }
0x29: {  	s4 =	sld [smem:$0x3FB2]  }
0x2a: {  	p0 =	seq.s32 s5, $0x0;
	s5 =	sld [smem:$0x3FB3]  }
0x2b: {  	s6 =	sld [smem:$0x3FB4]  }
0x2c: {  	s7 =	sld [smem:$0x3FB5]  }
0x2d: {  	s3 =	simm.s32 $0x108;
	s8 =	sld [smem:$0x3FB6]  }
0x2e: {  	s3 =	simm.s32 @!p0 $0x1082;
	s9 =	sld [smem:$0x3FB7]  }
0x2f: {  	lr =	sadd.s32 s0, s3;
	s0 =	sld [smem:$0x3FAE]  }
0x30: {  	s3 =	sld [smem:$0x3FB1]  }
0x31: {  	[smem:$0x3FBA] =	sst s10  }
0x32: {  	s10 =	sld [smem:$0x3FB8];
	_ =	sdelay $0x3  }
0x33: {  	p0 =	seq.s32 s10, $0x1;
	s10 =	sld [smem:$0x3FBA];
	_ =	sdelay $0x3  }
0x34: {  	[smem:$0x3FBA] =	sst s10  }
0x35: {  	s10 =	sld [smem:$0x3FB9];
	_ =	sdelay $0x3  }
0x36: {  	p1 =	seq.s32 s10, $0x1;
	s10 =	sld [smem:$0x3FBA];
	_ =	sdelay $0x3  }
0x37: {  	[smem:$0x3FBA] =	sst s10  }
0x38: {  	s10 =	sld [smem:$0x3FBB]  }
0x39: {  	_ = 	snop;
	(pc) =	sbr.ind lr, $3  }
0x3a: {  	_ = 	snop  }
0x3b: {  	_ = 	snop  }
0x3c: {  	p2 =	seq.s32 s10, $0x1;
	s10 =	sld [smem:$0x3FBA]  }
0x3d: {  	_ =	shalt  }
0x3e: {  	_ =	shalt  }
0x3f: {  	_ =	shalt  }
0x40: {  	_ =	shalt  }
0x41: {  	_ =	shalt  }
0x42: {  	_ =	shalt  }
0x43: {  	_ =	shalt  }
0x44: {  	_ =	shalt  }
0x45: {  	_ =	shalt  }
0x46: {  	_ =	shalt  }
0x47: {  	_ =	shalt  }
0x48: {  	_ =	shalt  }
0x49: {  	_ =	shalt  }
0x4a: {  	_ =	shalt  }
0x4b: {  	_ =	shalt  }
0x4c: {  	_ =	shalt  }
0x4d: {  	_ =	shalt  }
0x4e: {  	_ =	shalt  }
0x4f: {  	_ =	shalt  }
0x50: {  	_ =	shalt  }
0x51: {  	_ =	shalt  }
0x52: {  	_ =	shalt  }
0x53: {  	_ =	shalt  }
0x54: {  	_ =	shalt  }
0x55: {  	_ =	shalt  }
0x56: {  	_ =	shalt  }
0x57: {  	_ =	shalt  }
0x58: {  	_ =	shalt  }
0x59: {  	_ =	shalt  }
0x5a: {  	_ =	shalt  }
0x5b: {  	_ =	shalt  }
0x5c: {  	_ =	shalt  }
0x5d: {  	_ =	shalt  }
0x5e: {  	_ =	shalt  }
0x5f: {  	_ =	shalt  }
0x60: {  	_ =	shalt  }
0x61: {  	_ =	shalt  }
0x62: {  	_ =	shalt  }
0x63: {  	_ =	shalt  }
0x64: {  	_ =	shalt  }
0x65: {  	_ =	shalt  }
0x66: {  	_ =	shalt  }
0x67: {  	_ =	shalt  }
0x68: {  	_ =	shalt  }
0x69: {  	_ =	shalt  }
0x6a: {  	_ =	shalt  }
0x6b: {  	_ =	shalt  }
0x6c: {  	_ =	shalt  }
0x6d: {  	_ =	shalt  }
0x6e: {  	_ =	shalt  }
0x6f: {  	_ =	shalt  }
0x70: {  	_ =	shalt  }
0x71: {  	_ =	shalt  }
0x72: {  	_ =	shalt  }
0x73: {  	_ =	shalt  }
0x74: {  	_ =	shalt  }
0x75: {  	_ =	shalt  }
0x76: {  	_ =	shalt  }
0x77: {  	_ =	shalt  }
0x78: {  	_ =	shalt  }
0x79: {  	_ =	shalt  }
0x7a: {  	_ =	shalt  }
0x7b: {  	_ =	shalt  }
0x7c: {  	_ =	shalt  }
0x7d: {  	_ =	shalt  }
0x7e: {  	_ =	shalt  }
0x7f: {  	_ =	shalt  }
0x80: {  	_ =	shalt  }
0x81: {  	_ =	shalt  }
0x82: {  	_ =	shalt  }
0x83: {  	_ =	shalt  }
0x84: {  	_ =	shalt  }
0x85: {  	_ =	shalt  }
0x86: {  	_ =	shalt  }
0x87: {  	_ =	shalt  }
.Lfunc_end0:
.L_simem_size_0:
called_computation_lowered:
.L_overlay_start_0:
0x88: {  	s2 =	sld [smem:$0x3FD9]  }
0x89: {  	s3 =	sld [smem:$0x3FFE];
	_ =	sdelay $0x1  }
0x8a: {  	s1 =	srdreg.scid  }
0x8b: {  	s0 =	sand.u32 $0x1, s1  }
0x8c: {  	s17 =	sshll.u32 s0, $0xA;
	s2 =	sadd.s32 s3, s2  }
0x8d: {  	s2 =	sadd.s32 s2, s17  }
0x8e: {  	[smem:$0x3FC6] =	sst s2  }
0x8f: {  	_ = 	snop  }
0x90: {  	s2 =	sld [smem:$0x3FD0];
	(tm) =	ssettm $0x1  }
0x91: {  	s18 =	sld [smem:$0x3FFB];
	_ =	sdelay $0x3  }
0x92: {  	_ =	strace s18  }
0x93: {  	s3 =	sld [smem:$0x3FFC];
	_ =	sdelay $0x3  }
0x94: {  	_ =	strace s3  }
0x95: {  	s3 =	sld [smem:$0x3FFD];
	_ =	sdelay $0x3  }
0x96: {  	_ =	strace s3  }
0x97: {  	_ =	strace $0x8FFFFFFF  }
0x98: {  	s19 =	sld [smem:$0x3FDB];
	_ =	sdelay $0x1  }
0x99: {  	s4 =	simm.s32 $_scs_section_size  }
0x9a: {  	s5 =	simm.s32 $_size__tile_overlayer_lowered;
	s6 =	simm.s32 $_tile_overlayer_lowered  }
0x9b: {  	s22 =	simm.s32 $0x1BFF;
	s21 =	sshll.u32 s6, $0x1;
	s3 =	sadd.s32 s4, s19  }
0x9c: {  	s7 =	simm.s32 $0x0;
	s20 =	sshll.u32 s5, $0x1;
	s5 =	sadd.s32 s21, s3  }
0x9d: {  	[timem:s7], [sflag:s22] =	dma.local [hbm:s5], s20  }
0x9e: {  	_ =	swait.ge [sflag:s22], s20  }
0x9f: {  	s4 =	ssub.s32 $0x0, s20;
	[sflag:s22] =	ssyncset.done $0x0  }
0xa0: {  	[sflag:s22] =	ssyncadd.s32 s4;
	_ =	sdelay $0x1  }
0xa1: {  	s23 =	simm.s32 $0x1B8B  }
0xa2: {  	_ =	swait.ge [sflag:s23], $0x1  }
0xa3: {  	[sflag:s23] =	ssyncset.done $0x0  }
0xa4: {  	s25 =	simm.s32 $0x1B8E;
	s24 =	sld [smem:$0x3FFE];
	[sflag:s23] =	ssyncadd.s32 $0xFFFFFFFF  }
0xa5: {  	s26 =	simm.s32 $execute0_lowered;
	[smem:$0x3FD2] =	sst s25  }
0xa6: {  	s5 =	sshll.u32 s26, $0x1;
	_ =	strace $0x80000046;
	[dreg:$0x1] =	wrdreg $0xFFFFFFFF  }
0xa7: {  	s28 =	simm.s32 $_size_execute0_lowered;
	s3 =	sadd.s32 s3, s5;
	[dreg:$0x0] =	wrdreg $0x0  }
0xa8: {  	s5 =	sshll.u32 s28, $0x1;
	[dreg:$0x2] =	wrdreg s3  }
0xa9: {  	[dreg:$0x3] =	wrdreg s5  }
0xaa: {  	[dreg:$0x4] =	wrdreg $0xC0  }
0xab: {  	_ =	task [dreg:s7], $0x5FFFF  }
0xac: {  	[dreg:$0x1] =	wrdreg $0xFFFFFFFF  }
0xad: {  	[dreg:$0x0] =	wrdreg $0x60  }
0xae: {  	[dreg:$0x2] =	wrdreg s24  }
0xaf: {  	[dreg:$0x3] =	wrdreg s2  }
0xb0: {  	[dreg:$0x4] =	wrdreg $0x9  }
0xb1: {  	_ =	task.clear_ibuf [dreg:s7], $0x5FFFF;
	_ =	strace $0x90000046  }
0xb2: {  	s29 =	simm.s32 $0x9;
	_ =	strace $0x80000048  }
0xb3: {  	_ =	swait.ge [sflag:s29], $0x1  }
0xb4: {  	[sflag:s29] =	ssyncadd.s32 $0xFFFFFFFF  }
0xb5: {  	_ =	strace $0x90000048  }
0xb6: {  	_ =	sfence  }
0xb7: {  	s30 =	sld [smem:$0x0];
	_ =	sdelay $0x2  }
0xb8: {  	s31 =	sshll.u32 s1, $0xD;
	s1 =	sshrl.u32 s1, $0x2  }
0xb9: {  	s3 =	sand.u32 $0x4000, s31;
	s1 =	sadd.s32 s1, s30  }
0xba: {  	s0 =	sor.u32 s3, s0;
	s1 =	sshll.u32 s1, $0x11  }
0xbb: {  	s0 =	sor.u32 s1, s0  }
0xbc: {  	s0 =	sadd.s32 $0x8F2B, s0  }
0xbd: {  	[sflag:s0] =	ssyncadd.remote.s32 $0x1  }
0xbe: {  	_ =	sfence.sel $0xFFFF  }
0xbf: {  	[dreg:$0x0] =	wrdreg $0xFFFFFFFF;
	(pc) =	sbr.abs _section_cstart, $3  }
0xc0: {  	[dreg:$0x1] =	wrdreg $0xFFFFFFFF  }
0xc1: {  	_ =	task.clear_ibuf [dreg:s7], $0x2FFFF;
	_ =	strace $0x9FFFFFFF  }
0xc2: {  	(tm) =	ssettm $0x7FFFFFFF  }
0xc3: {  	_ =	shalt  }
tec
execute0_lowered:
.L_overlay_start_1:
0x0: {  	(tag) =	ssettag $0x1  }
0x1: {  	s2 =	rddreg [dreg:$0x0]  }
0x2: {  	s9 =	rddreg [dreg:$0x1]  }
0x3: {  	s0 =	rddreg [dreg:$0x2];
	s1 =	simm.s32 $0x0  }
0x4: {  	s3 =	srdreg.scid;
	s16 =	simm.s32 $0xC000;
	s17 =	simm.s32 $0xC400  }
0x5: {  	s18 =	simm.s32 $0x0;
	[smem:$0x7FF] =	sst s1;
	s7 =	sadd.s32 $0x1400, s2  }
0x6: {  	s8 =	sadd.s32 $0x61400, s2;
	s3 =	sand.u32 $0x1, s3;
	s10 =	sadd.s32 $0x61800, s2  }
0x7: {  	s2 =	stileid.u32;
	_ =	strace $0x80000047;
	s4 =	ssub.s32 $0x2, s3  }
0x8: {  	s6 =	sshll.u32 s2, $0x9;
	s11 =	sshrl.u32 s2, $0x1;
	s3 =	sshll.u32 s3, $0x8  }
0x9: {  	s5 =	sshrl.u32 s4, $0x1;
	s6 =	sand.u32 $0x200, s6;
	s12 =	smul.u32 $0x60000, s11  }
0xa: {  	s15 =	sshll.u32 s11, $0xA;
	s11 =	sshll.u32 s11, $0xD;
	s14 =	sor.u32 s3, s6  }
0xb: {  	s13 =	ssub.s32 s4, s5;
	s3 =	sor.u32 s12, s14;
	s28 =	sor.u32 s15, s14  }
0xc: {  	s29 =	sor.u32 s11, s14;
	s14 =	sor.u32 $0x80, s14;
	s3 =	sshrl.u32 s3, $0x3  }
0xd: {  	s4 =	sshrl.u32 s28, $0x3;
	s30 =	sshrl.u32 s29, $0x3;
	s12 =	sor.u32 s12, s14  }
0xe: {  	s15 =	sor.u32 s15, s14;
	s11 =	sor.u32 s11, s14;
	s14 =	simm.s32 $0x1  }
0xf: {  	s3 =	sadd.s32 s7, s3;
	s4 =	sadd.s32 s8, s4;
	s5 =	sadd.s32 s9, s30  }
0x10: {  	s6 =	sadd.s32 s10, s30;
	s12 =	sshrl.u32 s12, $0x3;
	s31 =	sshrl.u32 s15, $0x3  }
0x11: {  	s11 =	sshrl.u32 s11, $0x3;
	s15 =	simm.s32 $0xC800;
	s7 =	sadd.s32 s7, s12  }
0x12: {  	s8 =	sadd.s32 s8, s31;
	s9 =	sadd.s32 s9, s11;
	s10 =	sadd.s32 s10, s11  }
0x13: {  	v0 =	vlaneseq.u32;
	v1 =	vimm.s32 $0x0;
	s11 =	smax.u32 s13, $0x1;
	s12 =	simm.s32 $0x80;
	s13 =	simm.s32 $0x400  }
.LBB2_1:
0x14: {  	[tilespmem:s1], [sflag:$0x1] =	stream.strided.gather [hbm4b:s3+s12], $0xC000, s13, s12, $0x38;
	[tilespmem:$0xC880] =	vst v63  }
0x15: {  	_ =	swait.ge [sflag:s14], $0xC000  }
0x16: {  	[sflag:s14] =	ssyncset.done $0x0  }
0x17: {  	[sflag:s14] =	ssyncadd.s32 $0xFFFF4000  }
0x18: {  	[tilespmem:s15], [sflag:$0x1] =	stream.linear.gather [hbm4b:s4+s1], $0x80, $0x38;
	[tilespmem:$0xC880] =	vst v63  }
0x19: {  	_ =	swait.ge [sflag:s14], $0x80  }
0x1a: {  	s19 =	simm.s32 $0x100030;
	[sflag:s14] =	ssyncset.done $0x0  }
0x1b: {  	s20 =	simm.s32 $0xC020;
	v3 =	vor.u32 s19, v0;
	[sflag:s14] =	ssyncadd.s32 $0xFFFFFF80  }
0x1c: {  	s22 =	simm.s32 $0xC420;
	s29 =	simm.s32 $0x100010;
	v2 =	vld [tilespmem:$0xC800];
	[tilespmem:s20+$0x10] =	vst v3  }
0x1d: {  	v3 =	vor.u32 s29, v0;
	[tilespmem:s22+$0x10] =	vst v1  }
0x1e: {  	s30 =	simm.s32 $0x100020;
	[tilespmem:s20+$0xFFFFFFF0] =	vst v3  }
0x1f: {  	v3 =	vor.u32 s30, v0;
	[tilespmem:s22+$0xFFFFFFF0] =	vst v1  }
0x20: {  	s31 =	simm.s32 $0x100000;
	s23 =	simm.s32 $0x0;
	[tilespmem:s20+$0x0] =	vst v3  }
0x21: {  	s21 =	simm.s32 $0x40;
	s24 =	simm.s32 $0x100040;
	v7 =	vimm.s32 $0x0;
	s19 =	simm.s32 $0x70;
	v3 =	vor.u32 s31, v0;
	[tilespmem:s22+$0x0] =	vst v1  }
.LBB2_2:
0x22: {  	s25 =	sadd.s32 $0x10, s24;
	s26 =	sadd.s32 $0x20, s24;
	s28 =	sadd.s32 $0x30, s24;
	[tilespmem:s20+$0xFFFFFFE0] =	vst v3;
	v3 =	vor.u32 s24, v0  }
0x23: {  	s23 =	sadd.s32 $0x4, s23;
	s20 =	sadd.s32 $0x40, s20;
	v4 =	vor.u32 s25, v0;
	v5 =	vor.u32 s26, v0;
	v6 =	vor.u32 s28, v0;
	[tilespmem:s22+$0xFFFFFFE0] =	vst v7  }
0x24: {  	v7 =	vimm.s32 $0x0;
	p0 =	slt.u32 s23, $0x3C;
	s22 =	sadd.s32 $0x40, s22;
	[tilespmem:s20+$0x10] =	vst v6  }
.Ltmp0:
0x25: {  	[tilespmem:s22+$0x10] =	vst v7;
	(pc) =	sbr.rel @p0 .LBB2_2-.Ltmp0, $4  }
0x26: {  	[tilespmem:s20+$0xFFFFFFF0] =	vst v4  }
0x27: {  	[tilespmem:s22+$0xFFFFFFF0] =	vst v7  }
0x28: {  	[tilespmem:s20+$0x0] =	vst v5  }
0x29: {  	s24 =	sadd.s32 $0x40, s24;
	[tilespmem:s22+$0x0] =	vst v7  }
0x2a: {  	[tilespmem:s20+$0xFFFFFFE0] =	vst v3  }
0x2b: {  	[tilespmem:s22+$0xFFFFFFE0] =	vst v7  }
0x2c: {  	v8 =	vld [tilespmem:s21+$0xFFFFFFC0]  }
0x2d: {  	v10 =	vld [tilespmem:s21+$0xFFFFFFD0]  }
0x2e: {  	v20 =	vld [tilespmem:s21+$0xFFFFFFE0]  }
0x2f: {  	v4 =	vld [tilespmem:s21+$0xFFFFFFF0];
	_ =	sdelay $0x1  }
0x30: {  	v3 =	vld [tilespmem:s21+$0x0]  }
0x31: {  	v6 =	vld [tilespmem:s21+$0x10];
	vm6 =	vge.s32 v8, v2  }
0x32: {  	v5 =	vld [tilespmem:s21+$0x20];
	vm7 =	vge.s32 v10, v2;
	vm0 =	vge.s32 v20, v2;
	v11 =	vmpcnt.ones.xlane vm6  }
0x33: {  	vm1 =	vge.s32 v4, v2;
	v9 =	vsel vm6, $0x1, v1;
	v13 =	vmpcnt.ones.xlane vm7  }
0x34: {  	v12 =	vsel vm7, $0x1, v1;
	(xrf0) =	vadd.scan.msk.s32 $0xffff, v9;
	v9 =	vadd.s32 v7, v11;
	v11 =	vmpcnt.ones.xlane vm0  }
0x35: {  	v22 =	vld [tilespmem:s21+$0x30];
	vm4 =	vge.s32 v3, v2;
	(xrf0) =	vadd.scan.msk.s32 $0xffff, v12;
	v12 =	vadd.s32 v9, v13;
	v13 =	vmpcnt.ones.xlane vm1  }
0x36: {  	vm2 =	vge.s32 v6, v2;
	v14 =	vadd.s32 v12, v11;
	v11 =	vmpcnt.ones.xlane vm4  }
0x37: {  	vm3 =	vge.s32 v5, v2;
	v15 =	vmpcnt.ones.xlane vm2;
	v13 =	vadd.s32 v14, v13  }
0x38: {  	v16 =	vmpcnt.ones.xlane vm3;
	v17 =	vadd.s32 v13, v11;
	v11 =	vsel vm0, $0x1, v1  }
0x39: {  	v18 =	vsel vm1, $0x1, v1;
	(xrf0) =	vadd.scan.msk.s32 $0xffff, v11  }
0x3a: {  	vm5 =	vge.s32 v22, v2;
	v15 =	vadd.s32 v17, v15;
	v19, _, _ =	vpop (xrf0);
	(xrf0) =	vadd.scan.msk.s32 $0xffff, v18  }
0x3b: {  	v21 =	vsel vm4, $0x1, v1;
	v23 =	vadd.s32 v15, v16;
	v7 =	vadd.s32 v19, v7  }
0x3c: {  	v16, _, _ =	vpop (xrf0);
	v18 =	vsel vm2, $0x1, v1;
	(xrf0) =	vadd.scan.msk.s32 $0xffff, v21;
	v21 =	vadd.s32 $0xFFFFFFFF, v7;
	v7 =	vsel vm5, $0x1, v1  }
0x3d: {  	s26 =	simm.s32 $0x10;
	v27 =	vor.u32 s19, v0;
	v19 =	vsel vm3, $0x1, v1;
	v9 =	vadd.s32 v16, v9;
	(xrf0) =	vadd.scan.msk.s32 $0xffff, v18  }
0x3e: {  	s28 =	simm.s32 $0x20;
	v25 =	vor.u32 s26, v0;
	v24 =	vadd.s32 $0xFFFFFFFF, v9;
	vm8 =	vlt.s32 v21, $0x400;
	(xrf0) =	vadd.scan.msk.s32 $0xffff, v19  }
0x3f: {  	v28 =	vor.u32 s28, v0;
	vm9 =	vlt.s32 v24, $0x400;
	vm6 =	vmand vm6, vm8;
	(xrf0) =	vadd.scan.msk.s32 $0xffff, v7;
	v7, _, _ =	vpop (xrf0)  }
0x40: {  	s29 =	simm.s32 $0x30;
	v11 =	vmpcnt.ones.xlane vm5;
	vm8 =	vmand vm7, vm9;
	v7 =	vadd.s32 v7, v12;
	v9, _, _ =	vpop (xrf0)  }
0x41: {  	s25 =	simm.s32 $0x0;
	v31 =	vor.u32 s29, v0;
	v30 =	vadd.s32 $0xFFFFFFFF, v7;
	v7 =	vadd.s32 v9, v14  }
0x42: {  	s20 =	simm.s32 $0xC0;
	v11 =	vadd.s32 v23, v11;
	v19 =	vor.u32 s25, v0;
	v9, _, _ =	vpop (xrf0);
	v18 =	vadd.s32 $0xFFFFFFFF, v7  }
0x43: {  	v12 =	vld [tilespmem:s20+$0xFFFFFFC0];
	vm7 =	vlt.s32 v30, $0x400;
	v7 =	vadd.s32 v9, v13;
	v9, _, _ =	vpop (xrf0);
	vm9 =	vlt.s32 v18, $0x400  }
0x44: {  	s31 =	simm.s32 $0x50;
	v16 =	vadd.s32 $0xFFFFFFFF, v7;
	v7 =	vadd.s32 v9, v17;
	vm12 =	vmand vm0, vm7  }
0x45: {  	s30 =	simm.s32 $0x40;
	v9, _, _ =	vpop (xrf0);
	[tilespmem:v21+s16+$0x0] =	vst.idx.msk vm6, v19;
	v17 =	vld [tilespmem:s20+$0xFFFFFFF0];
	v19 =	vor.u32 s31, v0;
	vm10 =	vlt.s32 v16, $0x400;
	v14 =	vadd.s32 $0xFFFFFFFF, v7  }
0x46: {  	v7 =	vadd.s32 v9, v15;
	v15, _, _ =	vpop (xrf0);
	v9 =	vld [tilespmem:s20+$0xFFFFFFD0];
	vm9 =	vmand vm1, vm9;
	[tilespmem:v24+s16+$0x0] =	vst.idx.msk vm8, v25;
	v25 =	vor.u32 s30, v0  }
0x47: {  	vm11 =	vlt.s32 v14, $0x400;
	v13 =	vadd.s32 $0xFFFFFFFF, v7;
	v15 =	vadd.s32 v15, v23;
	v7 =	vld [tilespmem:s20+$0xFFFFFFE0]  }
0x48: {  	[tilespmem:v21+s17+$0x0] =	vst.idx.msk vm6, v8;
	v8 =	vld [tilespmem:s20+$0x10];
	vm7 =	vmand vm4, vm10;
	vm10 =	vge.s32 v12, v2;
	v32 =	vadd.s32 $0xFFFFFFFF, v15  }
0x49: {  	[tilespmem:v24+s17+$0x0] =	vst.idx.msk vm8, v10;
	vm0 =	vlt.s32 v13, $0x400;
	v15 =	vld [tilespmem:s20+$0x0];
	v24 =	vmpcnt.ones.xlane vm10;
	vm1 =	vlt.s32 v32, $0x400  }
0x4a: {  	v21 =	vld [tilespmem:s20+$0x30];
	vm6 =	vmand vm2, vm11;
	v23 =	vsel vm10, $0x1, v1;
	vm13 =	vmand vm5, vm1  }
0x4b: {  	v10 =	vld [tilespmem:s20+$0x20];
	vm3 =	vmand vm3, vm0;
	v29 =	vadd.s32 v11, v24;
	vm11 =	vge.s32 v9, v2  }
0x4c: {  	vm2 =	vge.s32 v17, v2;
	v33 =	vmpcnt.ones.xlane vm11;
	vm5 =	vge.s32 v7, v2  }
0x4d: {  	(xrf0) =	vadd.scan.msk.s32 $0xffff, v23;
	v62 =	vmpcnt.ones.xlane vm2;
	v26 =	vsel vm11, $0x1, v1;
	v23 =	vmpcnt.ones.xlane vm5  }
0x4e: {  	vm0 =	vge.s32 v8, v2;
	(xrf0) =	vadd.scan.msk.s32 $0xffff, v26;
	vm4 =	vge.s32 v15, v2;
	v26 =	vadd.s32 v29, v33  }
0x4f: {  	[tilespmem:v30+s16+$0x0] =	vst.idx.msk vm12, v28;
	vm8 =	vge.s32 v21, v2;
	v28 =	vmpcnt.ones.xlane vm4;
	v24 =	vadd.s32 v26, v23  }
0x50: {  	vm1 =	vge.s32 v10, v2;
	[tilespmem:v32+s16+$0x0] =	vst.idx.msk vm13, v27;
	v23 =	vadd.s32 v24, v62;
	v27 =	vmpcnt.ones.xlane vm0  }
0x51: {  	v35 =	vsel vm2, $0x1, v1;
	[tilespmem:v32+s17+$0x0] =	vst.idx.msk vm13, v22;
	v22 =	vadd.s32 v23, v28;
	v28 =	vmpcnt.ones.xlane vm1  }
0x52: {  	[tilespmem:v30+s17+$0x0] =	vst.idx.msk vm12, v20;
	v63 =	vsel vm5, $0x1, v1;
	v20 =	vadd.s32 v22, v27;
	v27 =	vmpcnt.ones.xlane vm8  }
0x53: {  	[tilespmem:v18+s16+$0x0] =	vst.idx.msk vm9, v31;
	v34 =	vsel vm0, $0x1, v1;
	v30, _, _ =	vpop (xrf0);
	(xrf0) =	vadd.scan.msk.s32 $0xffff, v63;
	v28 =	vadd.s32 v20, v28  }
0x54: {  	s22 =	simm.s32 $0x8;
	s21 =	simm.s32 $0x70;
	v31 =	vsel vm1, $0x1, v1;
	v33 =	vsel vm4, $0x1, v1;
	v32, _, _ =	vpop (xrf0);
	(xrf0) =	vadd.scan.msk.s32 $0xffff, v35;
	v27 =	vadd.s32 v28, v27  }
.LBB2_4:
0x55: {  	s22 =	sadd.s32 $0x8, s22;
	v35 =	vadd.s32 v30, v11;
	v29 =	vadd.s32 v32, v29;
	v30 =	vsel vm8, $0x1, v1;
	(xrf0) =	vadd.scan.msk.s32 $0xffff, v33;
	v32 =	vmovc v21  }
0x56: {  	p0 =	slt.u32 s22, $0xBF8;
	v21 =	vadd.s32 $0xFFFFFFFF, v35;
	v29 =	vadd.s32 $0xFFFFFFFF, v29;
	(xrf0) =	vadd.scan.msk.s32 $0xffff, v34;
	[tilespmem:v18+s17+$0x0] =	vst.idx.msk vm9, v4;
	v4 =	vmovc v17  }
0x57: {  	s19 =	sadd.s32 $0x80, s19;
	v11 =	vmovc v27;
	vm9 =	vlt.s32 v21, $0x400;
	vm12 =	vlt.s32 v29, $0x400;
	(xrf0) =	vadd.scan.msk.s32 $0xffff, v31;
	[tilespmem:v16+s16+$0x0] =	vst.idx.msk vm7, v25  }
0x58: {  	s23 =	sadd.s32 $0xFFFFFF90, s19;
	s24 =	sadd.s32 $0xFFFFFFA0, s19;
	vm10 =	vmand vm10, vm9;
	vm9 =	vmand vm11, vm12;
	(xrf0) =	vadd.scan.msk.s32 $0xffff, v30;
	[tilespmem:v16+s17+$0x0] =	vst.idx.msk vm7, v3;
	v3 =	vmovc v15  }
0x59: {  	v17 =	vor.u32 s24, v0;
	s24 =	sadd.s32 $0xFFFFFFF0, s21;
	s21 =	smov.u32 s19;
	v15 =	vor.u32 s23, v0;
	s23 =	sadd.s32 $0xFFFFFFB0, s19;
	v30 =	vor.u32 s19, v0;
	v16, _, _ =	vpop (xrf0);
	[tilespmem:v14+s16+$0x0] =	vst.idx.msk vm6, v19  }
0x5a: {  	v31 =	vor.u32 s23, v0;
	s23 =	sadd.s32 $0xFFFFFFC0, s19;
	v19 =	vadd.s32 v16, v26;
	v18, _, _ =	vpop (xrf0);
	[tilespmem:v14+s17+$0x0] =	vst.idx.msk vm6, v6;
	v6 =	vor.u32 s24, v0  }
0x5b: {  	v34 =	vor.u32 s23, v0;
	v33 =	vadd.s32 $0xFFFFFFFF, v19;
	v19 =	vadd.s32 v18, v24;
	v16, _, _ =	vpop (xrf0);
	[tilespmem:v13+s16+$0x0] =	vst.idx.msk vm3, v6  }
0x5c: {  	vm6 =	vlt.s32 v33, $0x400;
	v18 =	vadd.s32 $0xFFFFFFFF, v19;
	v19 =	vadd.s32 v16, v23;
	v14, _, _ =	vpop (xrf0);
	[tilespmem:v13+s17+$0x0] =	vst.idx.msk vm3, v5  }
0x5d: {  	s20 =	sadd.s32 $0x80, s20;
	vm3 =	vlt.s32 v18, $0x400;
	v16 =	vadd.s32 $0xFFFFFFFF, v19;
	v5 =	vadd.s32 v14, v22;
	v6, _, _ =	vpop (xrf0)  }
0x5e: {  	v22 =	vld [tilespmem:s20+$0xFFFFFFC0];
	[tilespmem:v21+s16+$0x0] =	vst.idx.msk vm10, v15;
	vm7 =	vlt.s32 v16, $0x400;
	v14 =	vadd.s32 $0xFFFFFFFF, v5;
	v15 =	vadd.s32 v6, v20;
	v6, _, _ =	vpop (xrf0)  }
0x5f: {  	v20 =	vld [tilespmem:s20+$0xFFFFFFD0];
	[tilespmem:v21+s17+$0x0] =	vst.idx.msk vm10, v12;
	vm10 =	vlt.s32 v14, $0x400;
	v13 =	vadd.s32 $0xFFFFFFFF, v15;
	v12 =	vadd.s32 v6, v28;
	v6 =	vmovc v8  }
0x60: {  	vm12 =	vmand vm5, vm6;
	v35 =	vld [tilespmem:s20+$0xFFFFFFE0];
	[tilespmem:v29+s16+$0x0] =	vst.idx.msk vm9, v17;
	vm5 =	vlt.s32 v13, $0x400;
	v28 =	vadd.s32 $0xFFFFFFFF, v12;
	v5 =	vmovc v10  }
0x61: {  	vm7 =	vmand vm4, vm7;
	v17 =	vld [tilespmem:s20+$0xFFFFFFF0];
	[tilespmem:v29+s17+$0x0] =	vst.idx.msk vm9, v9;
	vm9 =	vmand vm2, vm3;
	vm2 =	vlt.s32 v28, $0x400  }
0x62: {  	s23 =	sadd.s32 $0xFFFFFFD0, s19;
	s24 =	sadd.s32 $0xFFFFFFE0, s19;
	vm6 =	vmand vm0, vm10;
	vm3 =	vmand vm1, vm5;
	v15 =	vld [tilespmem:s20+$0x0];
	vm8 =	vmand vm8, vm2  }
0x63: {  	v25 =	vor.u32 s23, v0;
	v19 =	vor.u32 s24, v0;
	vm10 =	vge.s32 v22, v2;
	v8 =	vld [tilespmem:s20+$0x10];
	v12 =	vmovc v22  }
0x64: {  	v22 =	vsel vm10, $0x1, v1;
	v23 =	vmpcnt.ones.xlane vm10;
	vm11 =	vge.s32 v20, v2;
	v10 =	vld [tilespmem:s20+$0x20];
	v9 =	vmovc v20  }
0x65: {  	v20 =	vsel vm11, $0x1, v1;
	v24 =	vmpcnt.ones.xlane vm11;
	vm5 =	vge.s32 v35, v2;
	v21 =	vld [tilespmem:s20+$0x30];
	(xrf0) =	vadd.scan.msk.s32 $0xffff, v22  }
0x66: {  	v29 =	vadd.s32 v27, v23;
	v22 =	vmpcnt.ones.xlane vm5;
	vm2 =	vge.s32 v17, v2;
	(xrf0) =	vadd.scan.msk.s32 $0xffff, v20  }
0x67: {  	v26 =	vadd.s32 v29, v24;
	v20 =	vmpcnt.ones.xlane vm2;
	vm4 =	vge.s32 v15, v2;
	[tilespmem:v33+s16+$0x0] =	vst.idx.msk vm12, v31  }
0x68: {  	v24 =	vadd.s32 v26, v22;
	v22 =	vmpcnt.ones.xlane vm4;
	vm0 =	vge.s32 v8, v2;
	[tilespmem:v28+s16+$0x0] =	vst.idx.msk vm8, v30  }
.Ltmp1:
0x69: {  	v23 =	vadd.s32 v24, v20;
	v20 =	vmpcnt.ones.xlane vm0;
	vm1 =	vge.s32 v10, v2;
	[tilespmem:v28+s17+$0x0] =	vst.idx.msk vm8, v32;
	(pc) =	sbr.rel @p0 .LBB2_4-.Ltmp1, $4  }
0x6a: {  	v22 =	vadd.s32 v23, v22;
	v27 =	vmpcnt.ones.xlane vm1;
	vm8 =	vge.s32 v21, v2;
	[tilespmem:v33+s17+$0x0] =	vst.idx.msk vm12, v7  }
0x6b: {  	v38 =	vsel vm5, $0x1, v1;
	v20 =	vadd.s32 v22, v20;
	v36 =	vmpcnt.ones.xlane vm8;
	v30, _, _ =	vpop (xrf0);
	[tilespmem:v18+s16+$0x0] =	vst.idx.msk vm9, v34  }
0x6c: {  	v37 =	vsel vm2, $0x1, v1;
	v33 =	vsel vm4, $0x1, v1;
	v28 =	vadd.s32 v20, v27;
	v32, _, _ =	vpop (xrf0);
	(xrf0) =	vadd.scan.msk.s32 $0xffff, v38  }
0x6d: {  	v31 =	vsel vm1, $0x1, v1;
	v7 =	vmovc v35;
	v34 =	vsel vm0, $0x1, v1;
	v27 =	vadd.s32 v28, v36;
	(xrf0) =	vadd.scan.msk.s32 $0xffff, v37  }
0x6e: {  	_ =	sdelay $0x1  }
0x6f: {  	(xrf0) =	vadd.scan.msk.s32 $0xffff, v33;
	v11 =	vadd.s32 v30, v11  }
0x70: {  	v2 =	vsel vm8, $0x1, v1;
	v29 =	vadd.s32 v32, v29;
	(xrf0) =	vadd.scan.msk.s32 $0xffff, v34;
	v11 =	vadd.s32 $0xFFFFFFFF, v11  }
0x71: {  	v58 =	vadd.s32 $0xFFFFFFFF, v29;
	(xrf0) =	vadd.scan.msk.s32 $0xffff, v31;
	vm12 =	vlt.s32 v11, $0x400  }
0x72: {  	[tilespmem:v18+s17+$0x0] =	vst.idx.msk vm9, v4;
	vm13 =	vlt.s32 v58, $0x400;
	(xrf0) =	vadd.scan.msk.s32 $0xffff, v2;
	vm9 =	vmand vm10, vm12  }
0x73: {  	[tilespmem:v16+s16+$0x0] =	vst.idx.msk vm7, v25;
	vm14 =	vmand vm11, vm13;
	v2, _, _ =	vpop (xrf0)  }
0x74: {  	[tilespmem:v14+s16+$0x0] =	vst.idx.msk vm6, v19;
	v27, _, _ =	vpop (xrf0);
	v2 =	vadd.s32 v2, v26  }
0x75: {  	s20 =	sadd.s32 $0xFFFFFFF0, s21;
	s19 =	sadd.s32 $0x80, s19;
	[tilespmem:v16+s17+$0x0] =	vst.idx.msk vm7, v3;
	v57, _, _ =	vpop (xrf0);
	v2 =	vadd.s32 $0xFFFFFFFF, v2  }
0x76: {  	[tilespmem:v14+s17+$0x0] =	vst.idx.msk vm6, v6;
	v6 =	vor.u32 s20, v0;
	s21 =	sadd.s32 $0xFFFFFF90, s19;
	v4, _, _ =	vpop (xrf0);
	vm15 =	vlt.s32 v2, $0x400;
	v61 =	vadd.s32 v57, v23  }
0x77: {  	s22 =	sadd.s32 $0xFFFFFFA0, s19;
	[tilespmem:v13+s16+$0x0] =	vst.idx.msk vm3, v6;
	v6 =	vor.u32 s21, v0;
	v59, _, _ =	vpop (xrf0);
	vm5 =	vmand vm5, vm15;
	v62 =	vadd.s32 $0xFFFFFFFF, v61  }
0x78: {  	v4 =	vadd.s32 v4, v22;
	v3, _, _ =	vpop (xrf0);
	[tilespmem:v11+s16+$0x0] =	vst.idx.msk vm9, v6;
	v6 =	vor.u32 s22, v0;
	vm13 =	vlt.s32 v62, $0x400  }
0x79: {  	v4 =	vadd.s32 $0xFFFFFFFF, v4;
	v3 =	vadd.s32 v3, v28;
	[tilespmem:v58+s16+$0x0] =	vst.idx.msk vm14, v6;
	vm4 =	vmand vm4, vm13  }
0x7a: {  	v3 =	vadd.s32 $0xFFFFFFFF, v3;
	[tilespmem:v58+s17+$0x0] =	vst.idx.msk vm14, v9;
	vm14 =	vlt.s32 v4, $0x400  }
0x7b: {  	s23 =	sadd.s32 $0xFFFFFFB0, s19;
	[tilespmem:v13+s17+$0x0] =	vst.idx.msk vm3, v5;
	vm10 =	vlt.s32 v3, $0x400;
	vm0 =	vmand vm0, vm14  }
0x7c: {  	v60 =	vadd.s32 v27, v24;
	[tilespmem:v11+s17+$0x0] =	vst.idx.msk vm9, v12;
	v6 =	vor.u32 s23, v0;
	vm11 =	vmand vm8, vm10  }
0x7d: {  	s25 =	sadd.s32 $0xFFFFFFD0, s19;
	v5 =	vadd.s32 $0xFFFFFFFF, v60;
	[tilespmem:v2+s16+$0x0] =	vst.idx.msk vm5, v6  }
0x7e: {  	vm12 =	vlt.s32 v5, $0x400;
	v6 =	vadd.s32 v59, v20;
	[tilespmem:v2+s17+$0x0] =	vst.idx.msk vm5, v7;
	v2 =	vor.u32 s25, v0  }
0x7f: {  	s26 =	sadd.s32 $0xFFFFFFE0, s19;
	vm2 =	vmand vm2, vm12;
	v6 =	vadd.s32 $0xFFFFFFFF, v6;
	[tilespmem:v62+s16+$0x0] =	vst.idx.msk vm4, v2  }
0x80: {  	vm15 =	vlt.s32 v6, $0x400;
	v2 =	vor.u32 s26, v0;
	[tilespmem:v62+s17+$0x0] =	vst.idx.msk vm4, v15  }
0x81: {  	v63 =	vor.u32 s19, v0;
	vm1 =	vmand vm1, vm15;
	[tilespmem:v4+s16+$0x0] =	vst.idx.msk vm0, v2  }
0x82: {  	[tilespmem:v3+s16+$0x0] =	vst.idx.msk vm11, v63  }
0x83: {  	s24 =	sadd.s32 $0xFFFFFFC0, s19;
	[tilespmem:v4+s17+$0x0] =	vst.idx.msk vm0, v8  }
0x84: {  	[tilespmem:v3+s17+$0x0] =	vst.idx.msk vm11, v21;
	v3 =	vor.u32 s24, v0  }
0x85: {  	s19 =	sadd.s32 $0xFFFFFFF0, s19;
	[tilespmem:v5+s16+$0x0] =	vst.idx.msk vm2, v3  }
0x86: {  	v2 =	vor.u32 s19, v0;
	[tilespmem:v5+s17+$0x0] =	vst.idx.msk vm2, v17  }
0x87: {  	[tilespmem:v6+s16+$0x0] =	vst.idx.msk vm1, v2  }
0x88: {  	[tilespmem:v6+s17+$0x0] =	vst.idx.msk vm1, v10  }
0x89: {  	[hbm4b:s5+s12] =	stream.strided.scatter [tilespmem:s16], [sflag:$0x1], $0x400, s13, s12, $0x38;
	[tilespmem:$0xC880] =	vst v63  }
0x8a: {  	_ =	swait.ge [sflag:s14], $0x400  }
0x8b: {  	[sflag:s14] =	ssyncset.done $0x0  }
0x8c: {  	[sflag:s14] =	ssyncadd.s32 $0xFFFFFC00  }
0x8d: {  	[hbm4b:s6+s12] =	stream.strided.scatter [tilespmem:s17], [sflag:$0x1], $0x400, s13, s12, $0x38;
	[tilespmem:$0xC880] =	vst v63  }
0x8e: {  	_ =	swait.ge [sflag:s14], $0x400  }
0x8f: {  	[sflag:s14] =	ssyncset.done $0x0  }
0x90: {  	[sflag:s14] =	ssyncadd.s32 $0xFFFFFC00  }
0x91: {  	[tilespmem:s1], [sflag:$0x1] =	stream.strided.gather [hbm4b:s7+s12], $0xC000, s13, s12, $0x38;
	[tilespmem:$0xC880] =	vst v63  }
0x92: {  	_ =	swait.ge [sflag:s14], $0xC000  }
0x93: {  	[sflag:s14] =	ssyncset.done $0x0  }
0x94: {  	[sflag:s14] =	ssyncadd.s32 $0xFFFF4000  }
0x95: {  	[tilespmem:s15], [sflag:$0x1] =	stream.linear.gather [hbm4b:s8+s1], $0x80, $0x38;
	[tilespmem:$0xC880] =	vst v63  }
0x96: {  	_ =	swait.ge [sflag:s14], $0x80  }
0x97: {  	s28 =	simm.s32 $0x100030;
	[sflag:s14] =	ssyncset.done $0x0  }
0x98: {  	s20 =	simm.s32 $0xC020;
	v3 =	vor.u32 s28, v0;
	[sflag:s14] =	ssyncadd.s32 $0xFFFFFF80  }
0x99: {  	s29 =	simm.s32 $0x100010;
	s21 =	simm.s32 $0xC420;
	v7 =	vimm.s32 $0x0;
	v2 =	vld [tilespmem:$0xC800];
	[tilespmem:s20+$0x10] =	vst v3  }
0x9a: {  	v3 =	vor.u32 s29, v0;
	[tilespmem:s21+$0x10] =	vst v7  }
0x9b: {  	s30 =	simm.s32 $0x100020;
	[tilespmem:s20+$0xFFFFFFF0] =	vst v3  }
0x9c: {  	v3 =	vor.u32 s30, v0;
	[tilespmem:s21+$0xFFFFFFF0] =	vst v7  }
0x9d: {  	s31 =	simm.s32 $0x100000;
	[tilespmem:s20+$0x0] =	vst v3  }
0x9e: {  	s22 =	simm.s32 $0x0;
	s23 =	simm.s32 $0x100040;
	v3 =	vor.u32 s31, v0;
	[tilespmem:s21+$0x0] =	vst v7  }
.LBB2_6:
0x9f: {  	s19 =	sadd.s32 $0x10, s23;
	s24 =	sadd.s32 $0x20, s23;
	s25 =	sadd.s32 $0x30, s23;
	[tilespmem:s20+$0xFFFFFFE0] =	vst v3;
	v3 =	vor.u32 s23, v0  }
0xa0: {  	s22 =	sadd.s32 $0x4, s22;
	s20 =	sadd.s32 $0x40, s20;
	v4 =	vor.u32 s19, v0;
	v5 =	vor.u32 s24, v0;
	v6 =	vor.u32 s25, v0;
	[tilespmem:s21+$0xFFFFFFE0] =	vst v7  }
0xa1: {  	p0 =	slt.u32 s22, $0x3C;
	s21 =	sadd.s32 $0x40, s21;
	[tilespmem:s20+$0x10] =	vst v6  }
.Ltmp2:
0xa2: {  	s19 =	simm.s32 $0x70;
	s24 =	simm.s32 $0x40;
	[tilespmem:s21+$0x10] =	vst v7;
	(pc) =	sbr.rel @p0 .LBB2_6-.Ltmp2, $4  }
0xa3: {  	[tilespmem:s20+$0xFFFFFFF0] =	vst v4  }
0xa4: {  	[tilespmem:s21+$0xFFFFFFF0] =	vst v7  }
0xa5: {  	[tilespmem:s20+$0x0] =	vst v5  }
0xa6: {  	s23 =	sadd.s32 $0x40, s23;
	[tilespmem:s21+$0x0] =	vst v7  }
0xa7: {  	[tilespmem:s20+$0xFFFFFFE0] =	vst v3  }
0xa8: {  	[tilespmem:s21+$0xFFFFFFE0] =	vst v7  }
0xa9: {  	v8 =	vld [tilespmem:s24+$0xFFFFFFC0]  }
0xaa: {  	v10 =	vld [tilespmem:s24+$0xFFFFFFD0]  }
0xab: {  	v20 =	vld [tilespmem:s24+$0xFFFFFFE0]  }
0xac: {  	v4 =	vld [tilespmem:s24+$0xFFFFFFF0];
	_ =	sdelay $0x1  }
0xad: {  	v3 =	vld [tilespmem:s24+$0x0]  }
0xae: {  	v6 =	vld [tilespmem:s24+$0x10];
	vm6 =	vge.s32 v8, v2  }
0xaf: {  	v5 =	vld [tilespmem:s24+$0x20];
	vm7 =	vge.s32 v10, v2;
	vm0 =	vge.s32 v20, v2;
	v11 =	vmpcnt.ones.xlane vm6  }
0xb0: {  	vm1 =	vge.s32 v4, v2;
	v9 =	vsel vm6, $0x1, v1;
	v13 =	vmpcnt.ones.xlane vm7  }
0xb1: {  	v12 =	vsel vm7, $0x1, v1;
	(xrf0) =	vadd.scan.msk.s32 $0xffff, v9;
	v9 =	vadd.s32 v7, v11;
	v11 =	vmpcnt.ones.xlane vm0  }
0xb2: {  	v22 =	vld [tilespmem:s24+$0x30];
	vm4 =	vge.s32 v3, v2;
	(xrf0) =	vadd.scan.msk.s32 $0xffff, v12;
	v12 =	vadd.s32 v9, v13;
	v13 =	vmpcnt.ones.xlane vm1  }
0xb3: {  	vm2 =	vge.s32 v6, v2;
	v14 =	vadd.s32 v12, v11;
	v11 =	vmpcnt.ones.xlane vm4  }
0xb4: {  	vm3 =	vge.s32 v5, v2;
	v15 =	vmpcnt.ones.xlane vm2;
	v13 =	vadd.s32 v14, v13  }
0xb5: {  	v16 =	vmpcnt.ones.xlane vm3;
	v17 =	vadd.s32 v13, v11;
	v11 =	vsel vm0, $0x1, v1  }
0xb6: {  	v18 =	vsel vm1, $0x1, v1;
	(xrf0) =	vadd.scan.msk.s32 $0xffff, v11  }
0xb7: {  	vm5 =	vge.s32 v22, v2;
	v15 =	vadd.s32 v17, v15;
	v19, _, _ =	vpop (xrf0);
	(xrf0) =	vadd.scan.msk.s32 $0xffff, v18  }
0xb8: {  	v21 =	vsel vm4, $0x1, v1;
	v23 =	vadd.s32 v15, v16;
	v7 =	vadd.s32 v19, v7  }
0xb9: {  	v16, _, _ =	vpop (xrf0);
	v18 =	vsel vm2, $0x1, v1;
	(xrf0) =	vadd.scan.msk.s32 $0xffff, v21;
	v21 =	vadd.s32 $0xFFFFFFFF, v7;
	v7 =	vsel vm5, $0x1, v1  }
0xba: {  	s28 =	simm.s32 $0x10;
	v27 =	vor.u32 s19, v0;
	v19 =	vsel vm3, $0x1, v1;
	v9 =	vadd.s32 v16, v9;
	(xrf0) =	vadd.scan.msk.s32 $0xffff, v18  }
0xbb: {  	s29 =	simm.s32 $0x20;
	v25 =	vor.u32 s28, v0;
	v24 =	vadd.s32 $0xFFFFFFFF, v9;
	vm8 =	vlt.s32 v21, $0x400;
	(xrf0) =	vadd.scan.msk.s32 $0xffff, v19  }
0xbc: {  	v28 =	vor.u32 s29, v0;
	vm9 =	vlt.s32 v24, $0x400;
	vm6 =	vmand vm6, vm8;
	(xrf0) =	vadd.scan.msk.s32 $0xffff, v7;
	v7, _, _ =	vpop (xrf0)  }
0xbd: {  	s30 =	simm.s32 $0x30;
	v11 =	vmpcnt.ones.xlane vm5;
	vm8 =	vmand vm7, vm9;
	v7 =	vadd.s32 v7, v12;
	v9, _, _ =	vpop (xrf0)  }
0xbe: {  	s26 =	simm.s32 $0x0;
	v31 =	vor.u32 s30, v0;
	v30 =	vadd.s32 $0xFFFFFFFF, v7;
	v7 =	vadd.s32 v9, v14  }
0xbf: {  	s20 =	simm.s32 $0xC0;
	v11 =	vadd.s32 v23, v11;
	v19 =	vor.u32 s26, v0;
	v9, _, _ =	vpop (xrf0);
	v18 =	vadd.s32 $0xFFFFFFFF, v7  }
0xc0: {  	v12 =	vld [tilespmem:s20+$0xFFFFFFC0];
	vm7 =	vlt.s32 v30, $0x400;
	v7 =	vadd.s32 v9, v13;
	v9, _, _ =	vpop (xrf0);
	vm9 =	vlt.s32 v18, $0x400  }
0xc1: {  	s22 =	simm.s32 $0x50;
	v16 =	vadd.s32 $0xFFFFFFFF, v7;
	v7 =	vadd.s32 v9, v17;
	vm12 =	vmand vm0, vm7  }
0xc2: {  	s31 =	simm.s32 $0x40;
	v9, _, _ =	vpop (xrf0);
	[tilespmem:v21+s16+$0x0] =	vst.idx.msk vm6, v19;
	v17 =	vld [tilespmem:s20+$0xFFFFFFF0];
	v19 =	vor.u32 s22, v0;
	vm10 =	vlt.s32 v16, $0x400;
	v14 =	vadd.s32 $0xFFFFFFFF, v7  }
0xc3: {  	v7 =	vadd.s32 v9, v15;
	v15, _, _ =	vpop (xrf0);
	v9 =	vld [tilespmem:s20+$0xFFFFFFD0];
	vm9 =	vmand vm1, vm9;
	[tilespmem:v24+s16+$0x0] =	vst.idx.msk vm8, v25;
	v25 =	vor.u32 s31, v0  }
0xc4: {  	vm11 =	vlt.s32 v14, $0x400;
	v13 =	vadd.s32 $0xFFFFFFFF, v7;
	v15 =	vadd.s32 v15, v23;
	v7 =	vld [tilespmem:s20+$0xFFFFFFE0]  }
0xc5: {  	[tilespmem:v21+s17+$0x0] =	vst.idx.msk vm6, v8;
	v8 =	vld [tilespmem:s20+$0x10];
	vm7 =	vmand vm4, vm10;
	vm10 =	vge.s32 v12, v2;
	v32 =	vadd.s32 $0xFFFFFFFF, v15  }
0xc6: {  	[tilespmem:v24+s17+$0x0] =	vst.idx.msk vm8, v10;
	vm0 =	vlt.s32 v13, $0x400;
	v15 =	vld [tilespmem:s20+$0x0];
	v24 =	vmpcnt.ones.xlane vm10;
	vm1 =	vlt.s32 v32, $0x400  }
0xc7: {  	v21 =	vld [tilespmem:s20+$0x30];
	vm6 =	vmand vm2, vm11;
	v23 =	vsel vm10, $0x1, v1;
	vm13 =	vmand vm5, vm1  }
0xc8: {  	v10 =	vld [tilespmem:s20+$0x20];
	vm3 =	vmand vm3, vm0;
	v29 =	vadd.s32 v11, v24;
	vm11 =	vge.s32 v9, v2  }
0xc9: {  	vm2 =	vge.s32 v17, v2;
	v33 =	vmpcnt.ones.xlane vm11;
	vm5 =	vge.s32 v7, v2  }
0xca: {  	(xrf0) =	vadd.scan.msk.s32 $0xffff, v23;
	v62 =	vmpcnt.ones.xlane vm2;
	v26 =	vsel vm11, $0x1, v1;
	v23 =	vmpcnt.ones.xlane vm5  }
0xcb: {  	vm0 =	vge.s32 v8, v2;
	(xrf0) =	vadd.scan.msk.s32 $0xffff, v26;
	vm4 =	vge.s32 v15, v2;
	v26 =	vadd.s32 v29, v33  }
0xcc: {  	[tilespmem:v30+s16+$0x0] =	vst.idx.msk vm12, v28;
	vm8 =	vge.s32 v21, v2;
	v28 =	vmpcnt.ones.xlane vm4;
	v24 =	vadd.s32 v26, v23  }
0xcd: {  	vm1 =	vge.s32 v10, v2;
	[tilespmem:v32+s16+$0x0] =	vst.idx.msk vm13, v27;
	v23 =	vadd.s32 v24, v62;
	v27 =	vmpcnt.ones.xlane vm0  }
0xce: {  	v35 =	vsel vm2, $0x1, v1;
	[tilespmem:v32+s17+$0x0] =	vst.idx.msk vm13, v22;
	v22 =	vadd.s32 v23, v28;
	v28 =	vmpcnt.ones.xlane vm1  }
0xcf: {  	[tilespmem:v30+s17+$0x0] =	vst.idx.msk vm12, v20;
	v63 =	vsel vm5, $0x1, v1;
	v20 =	vadd.s32 v22, v27;
	v27 =	vmpcnt.ones.xlane vm8  }
0xd0: {  	[tilespmem:v18+s16+$0x0] =	vst.idx.msk vm9, v31;
	v34 =	vsel vm0, $0x1, v1;
	v30, _, _ =	vpop (xrf0);
	(xrf0) =	vadd.scan.msk.s32 $0xffff, v63;
	v28 =	vadd.s32 v20, v28  }
0xd1: {  	s21 =	simm.s32 $0x70;
	s22 =	simm.s32 $0x8;
	v31 =	vsel vm1, $0x1, v1;
	v33 =	vsel vm4, $0x1, v1;
	v32, _, _ =	vpop (xrf0);
	(xrf0) =	vadd.scan.msk.s32 $0xffff, v35;
	v27 =	vadd.s32 v28, v27  }
.LBB2_8:
0xd2: {  	s22 =	sadd.s32 $0x8, s22;
	v35 =	vadd.s32 v30, v11;
	v29 =	vadd.s32 v32, v29;
	v30 =	vsel vm8, $0x1, v1;
	(xrf0) =	vadd.scan.msk.s32 $0xffff, v33;
	v32 =	vmovc v21  }
0xd3: {  	p0 =	slt.u32 s22, $0xBF8;
	v21 =	vadd.s32 $0xFFFFFFFF, v35;
	v29 =	vadd.s32 $0xFFFFFFFF, v29;
	(xrf0) =	vadd.scan.msk.s32 $0xffff, v34;
	[tilespmem:v18+s17+$0x0] =	vst.idx.msk vm9, v4;
	v4 =	vmovc v17  }
0xd4: {  	s19 =	sadd.s32 $0x80, s19;
	v11 =	vmovc v27;
	vm9 =	vlt.s32 v21, $0x400;
	vm12 =	vlt.s32 v29, $0x400;
	(xrf0) =	vadd.scan.msk.s32 $0xffff, v31;
	[tilespmem:v16+s16+$0x0] =	vst.idx.msk vm7, v25  }
0xd5: {  	s23 =	sadd.s32 $0xFFFFFF90, s19;
	s24 =	sadd.s32 $0xFFFFFFA0, s19;
	vm10 =	vmand vm10, vm9;
	vm9 =	vmand vm11, vm12;
	(xrf0) =	vadd.scan.msk.s32 $0xffff, v30;
	[tilespmem:v16+s17+$0x0] =	vst.idx.msk vm7, v3;
	v3 =	vmovc v15  }
0xd6: {  	v17 =	vor.u32 s24, v0;
	s24 =	sadd.s32 $0xFFFFFFF0, s21;
	s21 =	smov.u32 s19;
	v15 =	vor.u32 s23, v0;
	s23 =	sadd.s32 $0xFFFFFFB0, s19;
	v30 =	vor.u32 s19, v0;
	v16, _, _ =	vpop (xrf0);
	[tilespmem:v14+s16+$0x0] =	vst.idx.msk vm6, v19  }
0xd7: {  	v31 =	vor.u32 s23, v0;
	s23 =	sadd.s32 $0xFFFFFFC0, s19;
	v19 =	vadd.s32 v16, v26;
	v18, _, _ =	vpop (xrf0);
	[tilespmem:v14+s17+$0x0] =	vst.idx.msk vm6, v6;
	v6 =	vor.u32 s24, v0  }
0xd8: {  	v34 =	vor.u32 s23, v0;
	v33 =	vadd.s32 $0xFFFFFFFF, v19;
	v19 =	vadd.s32 v18, v24;
	v16, _, _ =	vpop (xrf0);
	[tilespmem:v13+s16+$0x0] =	vst.idx.msk vm3, v6  }
0xd9: {  	vm6 =	vlt.s32 v33, $0x400;
	v18 =	vadd.s32 $0xFFFFFFFF, v19;
	v19 =	vadd.s32 v16, v23;
	v14, _, _ =	vpop (xrf0);
	[tilespmem:v13+s17+$0x0] =	vst.idx.msk vm3, v5  }
0xda: {  	s20 =	sadd.s32 $0x80, s20;
	vm3 =	vlt.s32 v18, $0x400;
	v16 =	vadd.s32 $0xFFFFFFFF, v19;
	v5 =	vadd.s32 v14, v22;
	v6, _, _ =	vpop (xrf0)  }
0xdb: {  	v22 =	vld [tilespmem:s20+$0xFFFFFFC0];
	[tilespmem:v21+s16+$0x0] =	vst.idx.msk vm10, v15;
	vm7 =	vlt.s32 v16, $0x400;
	v14 =	vadd.s32 $0xFFFFFFFF, v5;
	v15 =	vadd.s32 v6, v20;
	v6, _, _ =	vpop (xrf0)  }
0xdc: {  	v20 =	vld [tilespmem:s20+$0xFFFFFFD0];
	[tilespmem:v21+s17+$0x0] =	vst.idx.msk vm10, v12;
	vm10 =	vlt.s32 v14, $0x400;
	v13 =	vadd.s32 $0xFFFFFFFF, v15;
	v12 =	vadd.s32 v6, v28;
	v6 =	vmovc v8  }
0xdd: {  	vm12 =	vmand vm5, vm6;
	v35 =	vld [tilespmem:s20+$0xFFFFFFE0];
	[tilespmem:v29+s16+$0x0] =	vst.idx.msk vm9, v17;
	vm5 =	vlt.s32 v13, $0x400;
	v28 =	vadd.s32 $0xFFFFFFFF, v12;
	v5 =	vmovc v10  }
0xde: {  	vm7 =	vmand vm4, vm7;
	v17 =	vld [tilespmem:s20+$0xFFFFFFF0];
	[tilespmem:v29+s17+$0x0] =	vst.idx.msk vm9, v9;
	vm9 =	vmand vm2, vm3;
	vm2 =	vlt.s32 v28, $0x400  }
0xdf: {  	s23 =	sadd.s32 $0xFFFFFFD0, s19;
	s24 =	sadd.s32 $0xFFFFFFE0, s19;
	vm6 =	vmand vm0, vm10;
	vm3 =	vmand vm1, vm5;
	v15 =	vld [tilespmem:s20+$0x0];
	vm8 =	vmand vm8, vm2  }
0xe0: {  	v25 =	vor.u32 s23, v0;
	v19 =	vor.u32 s24, v0;
	vm10 =	vge.s32 v22, v2;
	v8 =	vld [tilespmem:s20+$0x10];
	v12 =	vmovc v22  }
0xe1: {  	v22 =	vsel vm10, $0x1, v1;
	v23 =	vmpcnt.ones.xlane vm10;
	vm11 =	vge.s32 v20, v2;
	v10 =	vld [tilespmem:s20+$0x20];
	v9 =	vmovc v20  }
0xe2: {  	v20 =	vsel vm11, $0x1, v1;
	v24 =	vmpcnt.ones.xlane vm11;
	vm5 =	vge.s32 v35, v2;
	v21 =	vld [tilespmem:s20+$0x30];
	(xrf0) =	vadd.scan.msk.s32 $0xffff, v22  }
0xe3: {  	v29 =	vadd.s32 v27, v23;
	v22 =	vmpcnt.ones.xlane vm5;
	vm2 =	vge.s32 v17, v2;
	(xrf0) =	vadd.scan.msk.s32 $0xffff, v20  }
0xe4: {  	v26 =	vadd.s32 v29, v24;
	v20 =	vmpcnt.ones.xlane vm2;
	vm4 =	vge.s32 v15, v2;
	[tilespmem:v33+s16+$0x0] =	vst.idx.msk vm12, v31  }
0xe5: {  	v24 =	vadd.s32 v26, v22;
	v22 =	vmpcnt.ones.xlane vm4;
	vm0 =	vge.s32 v8, v2;
	[tilespmem:v28+s16+$0x0] =	vst.idx.msk vm8, v30  }
.Ltmp3:
0xe6: {  	v23 =	vadd.s32 v24, v20;
	v20 =	vmpcnt.ones.xlane vm0;
	vm1 =	vge.s32 v10, v2;
	[tilespmem:v28+s17+$0x0] =	vst.idx.msk vm8, v32;
	(pc) =	sbr.rel @p0 .LBB2_8-.Ltmp3, $4  }
0xe7: {  	v22 =	vadd.s32 v23, v22;
	v27 =	vmpcnt.ones.xlane vm1;
	vm8 =	vge.s32 v21, v2;
	[tilespmem:v33+s17+$0x0] =	vst.idx.msk vm12, v7  }
0xe8: {  	v38 =	vsel vm5, $0x1, v1;
	v20 =	vadd.s32 v22, v20;
	v36 =	vmpcnt.ones.xlane vm8;
	v30, _, _ =	vpop (xrf0);
	[tilespmem:v18+s16+$0x0] =	vst.idx.msk vm9, v34  }
0xe9: {  	v37 =	vsel vm2, $0x1, v1;
	v33 =	vsel vm4, $0x1, v1;
	v28 =	vadd.s32 v20, v27;
	v32, _, _ =	vpop (xrf0);
	(xrf0) =	vadd.scan.msk.s32 $0xffff, v38  }
0xea: {  	v31 =	vsel vm1, $0x1, v1;
	v7 =	vmovc v35;
	v34 =	vsel vm0, $0x1, v1;
	v27 =	vadd.s32 v28, v36;
	(xrf0) =	vadd.scan.msk.s32 $0xffff, v37  }
0xeb: {  	_ =	sdelay $0x1  }
0xec: {  	(xrf0) =	vadd.scan.msk.s32 $0xffff, v33  }
0xed: {  	v2 =	vsel vm8, $0x1, v1;
	v29 =	vadd.s32 v32, v29  }
0xee: {  	(xrf0) =	vadd.scan.msk.s32 $0xffff, v34;
	v52 =	vadd.s32 $0xFFFFFFFF, v29  }
0xef: {  	v11 =	vadd.s32 v30, v11;
	[tilespmem:v18+s17+$0x0] =	vst.idx.msk vm9, v4;
	(xrf0) =	vadd.scan.msk.s32 $0xffff, v31;
	vm13 =	vlt.s32 v52, $0x400  }
0xf0: {  	[tilespmem:v16+s16+$0x0] =	vst.idx.msk vm7, v25;
	v11 =	vadd.s32 $0xFFFFFFFF, v11;
	(xrf0) =	vadd.scan.msk.s32 $0xffff, v2;
	vm14 =	vmand vm11, vm13;
	v2, _, _ =	vpop (xrf0)  }
0xf1: {  	[tilespmem:v14+s16+$0x0] =	vst.idx.msk vm6, v19;
	vm12 =	vlt.s32 v11, $0x400;
	v27, _, _ =	vpop (xrf0);
	v2 =	vadd.s32 v2, v26  }
0xf2: {  	s20 =	sadd.s32 $0xFFFFFFF0, s21;
	[tilespmem:v16+s17+$0x0] =	vst.idx.msk vm7, v3;
	vm9 =	vmand vm10, vm12;
	v50, _, _ =	vpop (xrf0);
	v2 =	vadd.s32 $0xFFFFFFFF, v2  }
0xf3: {  	s19 =	sadd.s32 $0x80, s19;
	[tilespmem:v14+s17+$0x0] =	vst.idx.msk vm6, v6;
	v54 =	vor.u32 s20, v0;
	vm15 =	vlt.s32 v2, $0x400;
	v59 =	vadd.s32 v50, v23  }
0xf4: {  	s26 =	sadd.s32 $0xFFFFFFA0, s19;
	[tilespmem:v13+s16+$0x0] =	vst.idx.msk vm3, v54;
	v51, _, _ =	vpop (xrf0);
	vm5 =	vmand vm5, vm15;
	v60 =	vadd.s32 $0xFFFFFFFF, v59  }
0xf5: {  	v58 =	vor.u32 s26, v0;
	[tilespmem:v13+s17+$0x0] =	vst.idx.msk vm3, v5;
	v4 =	vadd.s32 v51, v22;
	vm13 =	vlt.s32 v60, $0x400  }
0xf6: {  	s25 =	sadd.s32 $0xFFFFFF90, s19;
	v53, _, _ =	vpop (xrf0);
	[tilespmem:v52+s16+$0x0] =	vst.idx.msk vm14, v58;
	v4 =	vadd.s32 $0xFFFFFFFF, v4;
	vm4 =	vmand vm4, vm13  }
0xf7: {  	v55 =	vor.u32 s25, v0;
	v3, _, _ =	vpop (xrf0);
	v63 =	vadd.s32 v53, v20;
	[tilespmem:v52+s17+$0x0] =	vst.idx.msk vm14, v9;
	vm14 =	vlt.s32 v4, $0x400  }
0xf8: {  	s28 =	sadd.s32 $0xFFFFFFB0, s19;
	[tilespmem:v11+s16+$0x0] =	vst.idx.msk vm9, v55;
	v3 =	vadd.s32 v3, v28;
	v6 =	vadd.s32 $0xFFFFFFFF, v63;
	vm0 =	vmand vm0, vm14  }
0xf9: {  	v61 =	vor.u32 s28, v0;
	[tilespmem:v11+s17+$0x0] =	vst.idx.msk vm9, v12;
	v3 =	vadd.s32 $0xFFFFFFFF, v3;
	vm15 =	vlt.s32 v6, $0x400  }
0xfa: {  	s30 =	sadd.s32 $0xFFFFFFD0, s19;
	vm10 =	vlt.s32 v3, $0x400;
	vm1 =	vmand vm1, vm15;
	[tilespmem:v2+s16+$0x0] =	vst.idx.msk vm5, v61  }
0xfb: {  	v56 =	vadd.s32 v27, v24;
	vm11 =	vmand vm8, vm10;
	[tilespmem:v2+s17+$0x0] =	vst.idx.msk vm5, v7;
	v2 =	vor.u32 s30, v0  }
0xfc: {  	s31 =	sadd.s32 $0xFFFFFFE0, s19;
	v57 =	vadd.s32 $0xFFFFFFFF, v56;
	[tilespmem:v60+s16+$0x0] =	vst.idx.msk vm4, v2  }
0xfd: {  	vm12 =	vlt.s32 v57, $0x400;
	v2 =	vor.u32 s31, v0;
	[tilespmem:v60+s17+$0x0] =	vst.idx.msk vm4, v15  }
0xfe: {  	v62 =	vor.u32 s19, v0;
	s29 =	sadd.s32 $0xFFFFFFC0, s19;
	s19 =	sadd.s32 $0xFFFFFFF0, s19;
	vm2 =	vmand vm2, vm12;
	[tilespmem:v4+s16+$0x0] =	vst.idx.msk vm0, v2  }
0xff: {  	v2 =	vor.u32 s19, v0;
	[tilespmem:v4+s17+$0x0] =	vst.idx.msk vm0, v8  }
0x100: {  	[tilespmem:v6+s16+$0x0] =	vst.idx.msk vm1, v2  }
0x101: {  	[tilespmem:v3+s16+$0x0] =	vst.idx.msk vm11, v62  }
0x102: {  	[tilespmem:v6+s17+$0x0] =	vst.idx.msk vm1, v10  }
0x103: {  	[tilespmem:v3+s17+$0x0] =	vst.idx.msk vm11, v21;
	v3 =	vor.u32 s29, v0  }
0x104: {  	[tilespmem:v57+s16+$0x0] =	vst.idx.msk vm2, v3  }
0x105: {  	[tilespmem:v57+s17+$0x0] =	vst.idx.msk vm2, v17  }
0x106: {  	[hbm4b:s9+s12] =	stream.strided.scatter [tilespmem:s16], [sflag:$0x1], $0x400, s13, s12, $0x38;
	[tilespmem:$0xC880] =	vst v63  }
0x107: {  	s18 =	sadd.s32 $0x1, s18;
	_ =	swait.ge [sflag:s14], $0x400  }
0x108: {  	p0 =	sne.s32 s18, s11;
	[sflag:s14] =	ssyncset.done $0x0  }
.Ltmp4:
0x109: {  	[sflag:s14] =	ssyncadd.s32 $0xFFFFFC00;
	(pc) =	sbr.rel @p0 .LBB2_1-.Ltmp4, $4  }
0x10a: {  	[hbm4b:s10+s12] =	stream.strided.scatter [tilespmem:s17], [sflag:$0x1], $0x400, s13, s12, $0x38;
	[tilespmem:$0xC880] =	vst v63  }
0x10b: {  	_ =	swait.ge [sflag:s14], $0x400  }
0x10c: {  	[sflag:s14] =	ssyncset.done $0x0  }
0x10d: {  	[sflag:s14] =	ssyncadd.s32 $0xFFFFFC00  }
0x10e: {  	_ =	sfence.sel $0x180000  }
0x10f: {  	[bflag:$0x0] =	sbarrier.arrive $0xFFFF  }
0x110: {  	p0 =	sne.s32 s2, $0x0;
	_ =	strace $0x90000047  }
0x111: {  	s0 =	sadd.s32 @!p0 $0x100000, s0;
	[bflag:$0x2] =	sbarrier.arrive $0xFFFF  }
0x112: {  	[sflag:s0] =	ssyncadd.tile.s32 @!p0 $0x1;
	_ =	shalt  }
.Lfunc_end2:
_tile_overlayer_lowered:
.L_overlay_start_2:
0x113: {  	(tag) =	ssettag $0x2  }
0x114: {  	s0 =	rddreg [dreg:$0x0];
	s2 =	stileid.u32  }
0x115: {  	s1 =	rddreg [dreg:$0x1];
	p0 =	sne.s32 s2, $0x0  }
0x116: {  	s3 =	rddreg [dreg:$0x2];
	[bflag:$0x3] =	sbarrier.arrive $0xFFFF;
	s2 =	simm.s32 @!p0 $0x1C01  }
0x117: {  	[timem:s3], [sflag:s2] =	dma.local @!p0 [hbm:s0], s1  }
0x118: {  	s0 =	simm.s32 @!p0 $0x1  }
0x119: {  	_ =	swait.ge @!p0 [sflag:s0], s1  }
0x11a: {  	s1 =	ssub.s32 @!p0 $0x0, s1;
	[sflag:s0] =	ssyncset.done @!p0 $0x0  }
0x11b: {  	[sflag:s0] =	ssyncadd.s32 @!p0 s1  }
0x11c: {  	[bflag:$0x3] =	sbarrier.arrive $0xFFFF  }
0x11d: {  	_ =	shalt  }

// kernel: kernel.9.cloned.1.call-start
scs
__scs_entry_jumppad:
0x0: {  	(pc) =	sbr.rel $0x88, $3  }
0x1: {  	(tag) =	ssettag $0x0;
	lr =	simm.s32 $0x1  }
0x2: {  	[smem:$0x3F9F] =	sst lr;
	_ =	strace $0xD0000000  }
0x3: {  	_ = 	snop  }
0x4: {  	_ = 	snop  }
0x5: {  	_ = 	snop  }
0x6: {  	_ = 	snop  }
0x7: {  	_ = 	snop  }
__scs_overlays_trampoline_lowered:
0x8: {  	[smem:$0x3FAE] =	sst s0  }
0x9: {  	[smem:$0x3FAF] =	sst s1  }
0xa: {  	[smem:$0x3FB0] =	sst s2  }
0xb: {  	[smem:$0x3FB1] =	sst s3  }
0xc: {  	[smem:$0x3FB2] =	sst s4  }
0xd: {  	[smem:$0x3FB3] =	sst s5  }
0xe: {  	[smem:$0x3FB4] =	sst s6  }
0xf: {  	[smem:$0x3FB5] =	sst s7  }
0x10: {  	[smem:$0x3FB6] =	sst s8  }
0x11: {  	[smem:$0x3FB7] =	sst s9;
	s0 =	simm.s32 @!p0 $0x0  }
0x12: {  	s1 =	sld [smem:$0x3F9D];
	s0 =	simm.s32 @p0 $0x1  }
0x13: {  	[smem:$0x3FB8] =	sst s0;
	s0 =	simm.s32 @!p1 $0x0  }
0x14: {  	s2 =	sld [smem:$0x3F9C];
	s0 =	simm.s32 @p1 $0x1  }
0x15: {  	[smem:$0x3FB9] =	sst s0;
	s0 =	simm.s32 @!p2 $0x0  }
0x16: {  	s3 =	sld [smem:$0x3FDB];
	s0 =	simm.s32 @p2 $0x1  }
0x17: {  	s4 =	simm.s32 $0x1BF5;
	[smem:$0x3FBB] =	sst s0  }
0x18: {  	s0 =	sld [smem:$0x3F9E];
	_ =	swait.ge [sflag:s4], $0x0  }
0x19: {  	s7 =	sld [smem:$0x3F9F]  }
0x1a: {  	s8 =	sadd.s32 $0xFFFFE003, lr  }
0x1b: {  	s9 =	sadd.s32 $0xFFFFFEF7, lr;
	s5 =	simm.s32 $0xFFFFFFFF;
	p2 =	slt.u32 s8, $0xFFFFF086  }
0x1c: {  	p1 =	slt.u32 s9, $0xF7A;
	s5 =	simm.s32 @!p2 $0x0  }
0x1d: {  	s5 =	simm.s32 @p1 $0x1;
	p0 =	seq.s32 s7, s2  }
0x1e: {  	s7 =	smul.u32 @!p0 $0xF7A, s2;
	p2 =	seq.s32 @!p0 s5, $0x0  }
0x1f: {  	s9 =	smul.u32 $0xF7A, s1;
	s8 =	simm.s32 @!p0 $0x1BF5;
	p2 =	por !p2, p0  }
0x20: {  	[sflag:s8] =	ssyncset.s32 @!p0 $0xFFFFF086;
	s6 =	sadd.s32 @!p0 s3, s7;
	s7 =	simm.s32 @!p0 $0x108  }
0x21: {  	s3 =	sadd.s32 s3, s9;
	s6 =	sadd.s32 @!p0 $0x88, s6;
	s7 =	simm.s32 @p2 $0x1082  }
0x22: {  	[simem:s7], [sflag:s8] =	dma.local @!p0 [hbm:s6], $0xF7A  }
0x23: {  	s9 =	sor.u32 $0xD0000000, s2;
	s6 =	simm.s32 $0x108;
	_ =	swait.ge @!p0 [sflag:s8], $0x0  }
0x24: {  	s3 =	sadd.s32 $0x88, s3;
	s6 =	simm.s32 @!p1 $0x1082;
	[sflag:s4] =	ssyncset.s32 $0xFFFFF086  }
0x25: {  	[simem:s6], [sflag:s4] =	dma.local [hbm:s3], $0xF7A  }
0x26: {  	[smem:$0x3F9F] =	sst s1;
	(tag) =	ssettag s2;
	_ =	strace s9  }
0x27: {  	s1 =	sld [smem:$0x3FAF]  }
0x28: {  	s2 =	sld [smem:$0x3FB0]  }
0x29: {  	s4 =	sld [smem:$0x3FB2]  }
0x2a: {  	p0 =	seq.s32 s5, $0x0;
	s5 =	sld [smem:$0x3FB3]  }
0x2b: {  	s6 =	sld [smem:$0x3FB4]  }
0x2c: {  	s7 =	sld [smem:$0x3FB5]  }
0x2d: {  	s3 =	simm.s32 $0x108;
	s8 =	sld [smem:$0x3FB6]  }
0x2e: {  	s3 =	simm.s32 @!p0 $0x1082;
	s9 =	sld [smem:$0x3FB7]  }
0x2f: {  	lr =	sadd.s32 s0, s3;
	s0 =	sld [smem:$0x3FAE]  }
0x30: {  	s3 =	sld [smem:$0x3FB1]  }
0x31: {  	[smem:$0x3FBA] =	sst s10  }
0x32: {  	s10 =	sld [smem:$0x3FB8];
	_ =	sdelay $0x3  }
0x33: {  	p0 =	seq.s32 s10, $0x1;
	s10 =	sld [smem:$0x3FBA];
	_ =	sdelay $0x3  }
0x34: {  	[smem:$0x3FBA] =	sst s10  }
0x35: {  	s10 =	sld [smem:$0x3FB9];
	_ =	sdelay $0x3  }
0x36: {  	p1 =	seq.s32 s10, $0x1;
	s10 =	sld [smem:$0x3FBA];
	_ =	sdelay $0x3  }
0x37: {  	[smem:$0x3FBA] =	sst s10  }
0x38: {  	s10 =	sld [smem:$0x3FBB]  }
0x39: {  	_ = 	snop;
	(pc) =	sbr.ind lr, $3  }
0x3a: {  	_ = 	snop  }
0x3b: {  	_ = 	snop  }
0x3c: {  	p2 =	seq.s32 s10, $0x1;
	s10 =	sld [smem:$0x3FBA]  }
0x3d: {  	_ =	shalt  }
0x3e: {  	_ =	shalt  }
0x3f: {  	_ =	shalt  }
0x40: {  	_ =	shalt  }
0x41: {  	_ =	shalt  }
0x42: {  	_ =	shalt  }
0x43: {  	_ =	shalt  }
0x44: {  	_ =	shalt  }
0x45: {  	_ =	shalt  }
0x46: {  	_ =	shalt  }
0x47: {  	_ =	shalt  }
0x48: {  	_ =	shalt  }
0x49: {  	_ =	shalt  }
0x4a: {  	_ =	shalt  }
0x4b: {  	_ =	shalt  }
0x4c: {  	_ =	shalt  }
0x4d: {  	_ =	shalt  }
0x4e: {  	_ =	shalt  }
0x4f: {  	_ =	shalt  }
0x50: {  	_ =	shalt  }
0x51: {  	_ =	shalt  }
0x52: {  	_ =	shalt  }
0x53: {  	_ =	shalt  }
0x54: {  	_ =	shalt  }
0x55: {  	_ =	shalt  }
0x56: {  	_ =	shalt  }
0x57: {  	_ =	shalt  }
0x58: {  	_ =	shalt  }
0x59: {  	_ =	shalt  }
0x5a: {  	_ =	shalt  }
0x5b: {  	_ =	shalt  }
0x5c: {  	_ =	shalt  }
0x5d: {  	_ =	shalt  }
0x5e: {  	_ =	shalt  }
0x5f: {  	_ =	shalt  }
0x60: {  	_ =	shalt  }
0x61: {  	_ =	shalt  }
0x62: {  	_ =	shalt  }
0x63: {  	_ =	shalt  }
0x64: {  	_ =	shalt  }
0x65: {  	_ =	shalt  }
0x66: {  	_ =	shalt  }
0x67: {  	_ =	shalt  }
0x68: {  	_ =	shalt  }
0x69: {  	_ =	shalt  }
0x6a: {  	_ =	shalt  }
0x6b: {  	_ =	shalt  }
0x6c: {  	_ =	shalt  }
0x6d: {  	_ =	shalt  }
0x6e: {  	_ =	shalt  }
0x6f: {  	_ =	shalt  }
0x70: {  	_ =	shalt  }
0x71: {  	_ =	shalt  }
0x72: {  	_ =	shalt  }
0x73: {  	_ =	shalt  }
0x74: {  	_ =	shalt  }
0x75: {  	_ =	shalt  }
0x76: {  	_ =	shalt  }
0x77: {  	_ =	shalt  }
0x78: {  	_ =	shalt  }
0x79: {  	_ =	shalt  }
0x7a: {  	_ =	shalt  }
0x7b: {  	_ =	shalt  }
0x7c: {  	_ =	shalt  }
0x7d: {  	_ =	shalt  }
0x7e: {  	_ =	shalt  }
0x7f: {  	_ =	shalt  }
0x80: {  	_ =	shalt  }
0x81: {  	_ =	shalt  }
0x82: {  	_ =	shalt  }
0x83: {  	_ =	shalt  }
0x84: {  	_ =	shalt  }
0x85: {  	_ =	shalt  }
0x86: {  	_ =	shalt  }
0x87: {  	_ =	shalt  }
.Lfunc_end0:
.L_simem_size_0:
called_computation.1_lowered:
.L_overlay_start_0:
0x88: {  	s2 =	sld [smem:$0x3FD9]  }
0x89: {  	s3 =	sld [smem:$0x3FFE];
	_ =	sdelay $0x1  }
0x8a: {  	s1 =	srdreg.scid  }
0x8b: {  	s0 =	sand.u32 $0x1, s1  }
0x8c: {  	s17 =	sshll.u32 s0, $0xA;
	s2 =	sadd.s32 s3, s2  }
0x8d: {  	s2 =	sadd.s32 s2, s17  }
0x8e: {  	[smem:$0x3FC6] =	sst s2  }
0x8f: {  	_ = 	snop  }
0x90: {  	s2 =	sld [smem:$0x3FD0];
	(tm) =	ssettm $0x1  }
0x91: {  	s18 =	sld [smem:$0x3FFB];
	_ =	sdelay $0x3  }
0x92: {  	_ =	strace s18  }
0x93: {  	s3 =	sld [smem:$0x3FFC];
	_ =	sdelay $0x3  }
0x94: {  	_ =	strace s3  }
0x95: {  	s3 =	sld [smem:$0x3FFD];
	_ =	sdelay $0x3  }
0x96: {  	_ =	strace s3  }
0x97: {  	_ =	strace $0x8FFFFFFF  }
0x98: {  	s19 =	sld [smem:$0x3FDB];
	_ =	sdelay $0x1  }
0x99: {  	s4 =	simm.s32 $_scs_section_size  }
0x9a: {  	s5 =	simm.s32 $_size__tile_overlayer_lowered;
	s6 =	simm.s32 $_tile_overlayer_lowered  }
0x9b: {  	s22 =	simm.s32 $0x1BFF;
	s21 =	sshll.u32 s6, $0x1;
	s3 =	sadd.s32 s4, s19  }
0x9c: {  	s7 =	simm.s32 $0x0;
	s20 =	sshll.u32 s5, $0x1;
	s5 =	sadd.s32 s21, s3  }
0x9d: {  	[timem:s7], [sflag:s22] =	dma.local [hbm:s5], s20  }
0x9e: {  	_ =	swait.ge [sflag:s22], s20  }
0x9f: {  	s4 =	ssub.s32 $0x0, s20;
	[sflag:s22] =	ssyncset.done $0x0  }
0xa0: {  	[sflag:s22] =	ssyncadd.s32 s4;
	_ =	sdelay $0x1  }
0xa1: {  	s23 =	simm.s32 $0x1B8B  }
0xa2: {  	_ =	swait.ge [sflag:s23], $0x1  }
0xa3: {  	[sflag:s23] =	ssyncset.done $0x0  }
0xa4: {  	s25 =	simm.s32 $0x1B8E;
	s24 =	sld [smem:$0x3FFE];
	[sflag:s23] =	ssyncadd.s32 $0xFFFFFFFF  }
0xa5: {  	s26 =	simm.s32 $execute0_lowered;
	[smem:$0x3FD2] =	sst s25  }
0xa6: {  	s5 =	sshll.u32 s26, $0x1;
	_ =	strace $0x80000049;
	[dreg:$0x1] =	wrdreg $0xFFFFFFFF  }
0xa7: {  	s28 =	simm.s32 $_size_execute0_lowered;
	s3 =	sadd.s32 s3, s5;
	[dreg:$0x0] =	wrdreg $0x0  }
0xa8: {  	s5 =	sshll.u32 s28, $0x1;
	[dreg:$0x2] =	wrdreg s3  }
0xa9: {  	[dreg:$0x3] =	wrdreg s5  }
0xaa: {  	[dreg:$0x4] =	wrdreg $0xC0  }
0xab: {  	_ =	task [dreg:s7], $0x5FFFF  }
0xac: {  	[dreg:$0x1] =	wrdreg $0xFFFFFFFF  }
0xad: {  	[dreg:$0x0] =	wrdreg $0x60  }
0xae: {  	[dreg:$0x2] =	wrdreg s24  }
0xaf: {  	[dreg:$0x3] =	wrdreg s2  }
0xb0: {  	[dreg:$0x4] =	wrdreg $0x9  }
0xb1: {  	_ =	task.clear_ibuf [dreg:s7], $0x5FFFF;
	_ =	strace $0x90000049  }
0xb2: {  	s29 =	simm.s32 $0x9;
	_ =	strace $0x8000004B  }
0xb3: {  	_ =	swait.ge [sflag:s29], $0x1  }
0xb4: {  	[sflag:s29] =	ssyncadd.s32 $0xFFFFFFFF  }
0xb5: {  	_ =	strace $0x9000004B  }
0xb6: {  	_ =	sfence  }
0xb7: {  	s30 =	sld [smem:$0x0];
	_ =	sdelay $0x2  }
0xb8: {  	s31 =	sshll.u32 s1, $0xD;
	s1 =	sshrl.u32 s1, $0x2  }
0xb9: {  	s3 =	sand.u32 $0x4000, s31;
	s1 =	sadd.s32 s1, s30  }
0xba: {  	s0 =	sor.u32 s3, s0;
	s1 =	sshll.u32 s1, $0x11  }
0xbb: {  	s0 =	sor.u32 s1, s0  }
0xbc: {  	s0 =	sadd.s32 $0x8F2B, s0  }
0xbd: {  	[sflag:s0] =	ssyncadd.remote.s32 $0x1  }
0xbe: {  	_ =	sfence.sel $0xFFFF  }
0xbf: {  	[dreg:$0x0] =	wrdreg $0xFFFFFFFF;
	(pc) =	sbr.abs _section_cstart, $3  }
0xc0: {  	[dreg:$0x1] =	wrdreg $0xFFFFFFFF  }
0xc1: {  	_ =	task.clear_ibuf [dreg:s7], $0x2FFFF;
	_ =	strace $0x9FFFFFFF  }
0xc2: {  	(tm) =	ssettm $0x7FFFFFFF  }
0xc3: {  	_ =	shalt  }
tec
execute0_lowered:
.L_overlay_start_1:
0x0: {  	(tag) =	ssettag $0x1  }
0x1: {  	s3 =	rddreg [dreg:$0x0]  }
0x2: {  	s8 =	rddreg [dreg:$0x1];
	s2 =	srdreg.scid  }
0x3: {  	s0 =	rddreg [dreg:$0x2];
	s1 =	stileid.u32  }
0x4: {  	s14 =	simm.s32 $0x0;
	s4 =	sand.u32 $0x1, s2;
	s2 =	simm.s32 $0x0  }
0x5: {  	s5 =	sshll.u32 s1, $0x2;
	s22 =	sshrl.u32 s1, $0x1;
	s9 =	sadd.s32 $0x9400, s3  }
0x6: {  	s11 =	sadd.s32 $0x1400, s3;
	s6 =	sshll.u32 s4, $0x1;
	[smem:$0x7FF] =	sst s2  }
0x7: {  	s10 =	sshll.u32 s22, $0xD;
	s23 =	ssub.s32 $0x2, s4;
	s5 =	sor.u32 s6, s5  }
0x8: {  	_ =	strace $0x8000004A;
	s12 =	sshrl.u32 s23, $0x1;
	s6 =	smul.u32 $0x6000, s22  }
0x9: {  	s7 =	sshll.u32 s5, $0x7;
	s12 =	ssub.s32 s23, s12;
	s13 =	sor.u32 $0x1, s5  }
0xa: {  	s25 =	sshll.u32 s5, $0x9;
	s7 =	sand.u32 $0x300, s7;
	s28 =	sshll.u32 s13, $0x7  }
0xb: {  	s30 =	sshll.u32 s13, $0x9;
	s13 =	simm.s32 $0x1400;
	s24 =	sor.u32 s10, s7  }
0xc: {  	s26 =	sor.u32 s6, s7;
	s7 =	sand.u32 $0x380, s28;
	s4 =	sshrl.u32 s24, $0x3  }
0xd: {  	s5 =	sshrl.u32 s26, $0x3;
	s10 =	sor.u32 s10, s7;
	s6 =	sor.u32 s6, s7  }
0xe: {  	s7 =	sadd.s32 s11, s30;
	s3 =	sadd.s32 s9, s4;
	s4 =	sadd.s32 s11, s25  }
0xf: {  	s5 =	sadd.s32 s8, s5;
	s29 =	sshrl.u32 s10, $0x3;
	s31 =	sshrl.u32 s6, $0x3  }
0x10: {  	s10 =	simm.s32 $0x80;
	s11 =	simm.s32 $0x400;
	s6 =	sadd.s32 s9, s29  }
0x11: {  	s8 =	sadd.s32 s8, s31;
	s9 =	smax.u32 s12, $0x1;
	s12 =	simm.s32 $0x1  }
.LBB2_1:
0x12: {  	[tilespmem:s2], [sflag:$0x1] =	stream.strided.gather [hbm4b:s3+s10], $0x400, s11, s10, $0x38;
	[tilespmem:$0x2000] =	vst v63  }
0x13: {  	_ =	swait.ge [sflag:s12], $0x400  }
0x14: {  	[sflag:s12] =	ssyncset.done $0x0  }
0x15: {  	[sflag:s12] =	ssyncadd.s32 $0xFFFFFC00  }
0x16: {  	[tilespmem:s11], [sflag:$0x1] =	stream.linear.gather [hbm4b:s4+s2], $0x1000, $0x38;
	[tilespmem:$0x2000] =	vst v63  }
0x17: {  	s15 =	sand.u32 $0x40, s2;
	_ =	swait.ge [sflag:s12], $0x1000  }
0x18: {  	s16 =	sand.u32 $0x380, s2;
	s17 =	sor.u32 $0x30, s15;
	[sflag:s12] =	ssyncset.done $0x0  }
0x19: {  	s19 =	sor.u32 $0x10, s15;
	s18 =	sor.u32 s17, s16;
	[sflag:s12] =	ssyncadd.s32 $0xFFFFF000  }
0x1a: {  	s20 =	sor.u32 $0x20, s15;
	s21 =	sor.u32 s19, s16;
	v0 =	vld [tilespmem:s18+$0x0]  }
0x1b: {  	s16 =	sor.u32 s20, s16;
	v1 =	vld [tilespmem:s21+$0x0]  }
0x1c: {  	v2 =	vld [tilespmem:s16+$0x0]  }
0x1d: {  	s22 =	sand.u32 $0xE00, s2  }
0x1e: {  	s24 =	simm.s32 $0x0;
	s23 =	sadd.s32 $0x400, s22  }
0x1f: {  	s17 =	sor.u32 s17, s23;
	v4 =	vld [tilespmem:s24+$0x0];
	v3 =	vmul.u32 $0x3, v0;
	vm0 =	vlt.s32 v0, $0x3E8  }
0x20: {  	s25 =	sor.u32 s19, s23;
	v0 =	vld [tilespmem:s17+$0x0];
	v5 =	vmul.u32 $0x3, v1;
	vm1 =	vlt.s32 v1, $0x3E8  }
0x21: {  	s26 =	sor.u32 s20, s23;
	v1 =	vld [tilespmem:s25+$0x0];
	v6 =	vmul.u32 $0x3, v2;
	vm6 =	vlt.s32 v2, $0x3E8  }
0x22: {  	v2 =	vld [tilespmem:s26+$0x0];
	_ =	sdelay $0x1  }
0x23: {  	s16 =	sor.u32 s15, s23  }
0x24: {  	s28 =	simm.s32 $0x40;
	v8 =	vld [tilespmem:s16+$0x0];
	vm4 =	vmmov vm0;
	[tilespmem:v3+s13+$0x0] =	vst.idx.msk vm0, v0  }
0x25: {  	p0 =	por $0x0, $0x0;
	s20 =	sand.u32 $0x40, s28;
	v7 =	vadd.s32 $0x1, v3;
	[tilespmem:v5+s13+$0x0] =	vst.idx.msk vm1, v1;
	v1 =	vmul.u32 $0x3, v4;
	vm0 =	vlt.s32 v4, $0x3E8;
	v0 =	vld [tilespmem:s17+$0x80]  }
0x26: {  	s15 =	simm.s32 $0x1;
	s21 =	sor.u32 $0x30, s20;
	[tilespmem:v6+s13+$0x0] =	vst.idx.msk vm6, v2;
	s17 =	sand.u32 $0x380, s28;
	v4 =	vld [tilespmem:s25+$0x80]  }
0x27: {  	s22 =	sor.u32 $0x10, s20;
	s15 =	simm.s32 @!p0 $0x0;
	v9 =	vld [tilespmem:s26+$0x80];
	s23 =	sor.u32 s21, s17  }
0x28: {  	s31 =	sor.u32 $0x20, s20;
	s15 =	sshll.u32 s15, $0x6;
	s29 =	sor.u32 s22, s17;
	v10 =	vld [tilespmem:s23+$0x0]  }
0x29: {  	s18 =	sadd.s32 $0x0, s15;
	s15 =	simm.s32 $0x100;
	s17 =	sor.u32 s31, s17;
	v11 =	vld [tilespmem:s29+$0x0]  }
0x2a: {  	s30 =	sadd.s32 $0x30, s18;
	s24 =	sand.u32 $0xE00, s15;
	v13 =	vadd.s32 $0x1, v5;
	s26 =	simm.s32 $0x40;
	v14 =	vld [tilespmem:s17+$0x0];
	[tilespmem:v7+s13+$0x0] =	vst.idx.msk vm4, v0  }
0x2b: {  	v2 =	vadd.s32 $0x2, v5;
	v5 =	vadd.s32 $0x1, v6;
	s25 =	sor.u32 $0x100, s30;
	s28 =	sadd.s32 $0x400, s24;
	[tilespmem:v1+s13+$0x0] =	vst.idx.msk vm0, v8;
	v8 =	vld [tilespmem:s26+$0x0]  }
0x2c: {  	v15 =	vadd.s32 $0x2, v3;
	s24 =	sor.u32 s21, s28;
	v7 =	vld [tilespmem:s25+$0x400]  }
0x2d: {  	s19 =	sor.u32 s22, s28;
	v19 =	vld [tilespmem:s24+$0x0];
	v3 =	vmul.u32 $0x3, v10;
	vm8 =	vlt.s32 v10, $0x3E8  }
0x2e: {  	vm3 =	vmmov vm1;
	v16 =	vld [tilespmem:s19+$0x0];
	v0 =	vadd.s32 $0x2, v6;
	vm0 =	vmmov vm0  }
0x2f: {  	v6 =	vadd.s32 $0x1, v1;
	[tilespmem:v13+s13+$0x0] =	vst.idx.msk vm1, v4;
	v18 =	vld [tilespmem:s16+$0x80];
	s16 =	sor.u32 s20, s28;
	v12 =	vmul.u32 $0x3, v11;
	vm5 =	vlt.s32 v11, $0x3E8  }
0x30: {  	vm2 =	vmmov vm6;
	s29 =	sadd.s32 $0x10, s18;
	[tilespmem:v5+s13+$0x0] =	vst.idx.msk vm6, v9;
	s20 =	sor.u32 s31, s28;
	v10 =	vld [tilespmem:s16+$0x0];
	v13 =	vmul.u32 $0x3, v14;
	vm7 =	vlt.s32 v14, $0x3E8  }
0x31: {  	s30 =	sor.u32 $0x100, s29;
	v1 =	vadd.s32 $0x2, v1;
	s31 =	sadd.s32 $0x20, s18;
	v17 =	vld [tilespmem:s20+$0x0];
	vm6 =	vlt.s32 v8, $0x3E8;
	[tilespmem:v15+s13+$0x0] =	vst.idx.msk vm4, v7;
	v15 =	vmul.u32 $0x3, v8  }
0x32: {  	s21 =	sor.u32 $0x100, s31;
	v14 =	vld [tilespmem:s30+$0x400];
	vm1 =	vmmov vm8;
	v5 =	vadd.s32 $0x1, v12;
	v9 =	vadd.s32 $0x2, v12  }
0x33: {  	p0 =	por !p0, !p0;
	s22 =	simm.s32 $0x1;
	s17 =	simm.s32 $0x4;
	v11 =	vld [tilespmem:s21+$0x400];
	v7 =	vadd.s32 $0x1, v13;
	v8 =	vadd.s32 $0x2, v13;
	vm4 =	vmmov vm6;
	[tilespmem:v3+s13+$0x0] =	vst.idx.msk vm8, v19  }
0x34: {  	s22 =	simm.s32 @!p0 $0x0;
	s21 =	sor.u32 $0x100, s18;
	s18 =	simm.s32 $0x80;
	[tilespmem:v6+s13+$0x0] =	vst.idx.msk vm0, v18;
	v4 =	vadd.s32 $0x1, v15;
	v6 =	vadd.s32 $0x2, v15;
	v19 =	vadd.s32 $0x1, v3;
	v18 =	vld [tilespmem:s24+$0x80]  }
.LBB2_2:
0x35: {  	s23 =	sand.u32 $0x40, s18;
	s24 =	sand.u32 $0x380, s18;
	s17 =	sadd.s32 $0x4, s17;
	[tilespmem:v12+s13+$0x0] =	vst.idx.msk vm5, v16;
	v12 =	vld [tilespmem:s21+$0x400]  }
0x36: {  	s21 =	sshll.u32 s22, $0x6;
	s25 =	sor.u32 $0x30, s23;
	p1 =	slt.u32 s17, $0x3C;
	v16 =	vld [tilespmem:s19+$0x80];
	[tilespmem:v13+s13+$0x0] =	vst.idx.msk vm7, v17  }
0x37: {  	s19 =	sor.u32 $0x10, s23;
	s21 =	sadd.s32 s21, s15;
	s22 =	sor.u32 s25, s24;
	[tilespmem:v15+s13+$0x0] =	vst.idx.msk vm6, v10;
	v10 =	vld [tilespmem:s20+$0x80]  }
0x38: {  	s26 =	sor.u32 $0x20, s23;
	s20 =	sor.u32 s19, s24;
	v13 =	vld [tilespmem:s22+$0x0];
	s22 =	sadd.s32 $0x30, s21;
	[tilespmem:v2+s13+$0x0] =	vst.idx.msk vm3, v14;
	v2 =	vmov v9;
	vm3 =	vmmov vm5  }
0x39: {  	v9 =	vld [tilespmem:s20+$0x0];
	s20 =	sor.u32 s26, s24;
	s24 =	sadd.s32 $0x10, s21;
	[tilespmem:v19+s13+$0x0] =	vst.idx.msk vm1, v18;
	s22 =	sor.u32 $0x100, s22  }
0x3a: {  	s15 =	sadd.s32 $0x100, s15;
	s28 =	sadd.s32 $0x20, s21;
	v15 =	vadd.s32 $0x2, v3;
	s24 =	sor.u32 $0x100, s24;
	v14 =	vld [tilespmem:s22+$0x400];
	[tilespmem:v0+s13+$0x0] =	vst.idx.msk vm2, v11;
	v0 =	vmov v8;
	vm2 =	vmmov vm7  }
0x3b: {  	s29 =	sand.u32 $0xE00, s15;
	s28 =	sor.u32 $0x100, s28;
	s22 =	sshra.s32 s15, $0x2;
	v8 =	vld [tilespmem:s20+$0x0];
	[tilespmem:v5+s13+$0x0] =	vst.idx.msk vm5, v16  }
0x3c: {  	s21 =	sor.u32 $0x100, s21;
	s20 =	sadd.s32 $0x400, s29;
	v11 =	vld [tilespmem:s22+$0x0];
	[tilespmem:v7+s13+$0x0] =	vst.idx.msk vm7, v10  }
0x3d: {  	s19 =	sor.u32 s19, s20;
	s25 =	sor.u32 s25, s20;
	v3 =	vmul.u32 $0x3, v13;
	vm8 =	vlt.s32 v13, $0x3E8;
	v18 =	vld [tilespmem:s16+$0x80];
	s16 =	sor.u32 s23, s20;
	[tilespmem:v1+s13+$0x0] =	vst.idx.msk vm0, v12;
	v1 =	vmovc v6;
	vm0 =	vmmov vm6  }
0x3e: {  	s20 =	sor.u32 s26, s20;
	v12 =	vmul.u32 $0x3, v9;
	vm5 =	vlt.s32 v9, $0x3E8;
	v19 =	vld [tilespmem:s25+$0x0]  }
0x3f: {  	v10 =	vld [tilespmem:s16+$0x0];
	[tilespmem:v15+s13+$0x0] =	vst.idx.msk vm1, v14;
	vm1 =	vmmov vm8  }
.Ltmp0:
0x40: {  	v16 =	vld [tilespmem:s19+$0x0];
	v5 =	vadd.s32 $0x1, v12;
	v13 =	vmul.u32 $0x3, v8;
	vm7 =	vlt.s32 v8, $0x3E8;
	(pc) =	sbr.rel @p1 .LBB2_2-.Ltmp0, $4  }
0x41: {  	v9 =	vadd.s32 $0x2, v12;
	v15 =	vmul.u32 $0x3, v11;
	vm6 =	vlt.s32 v11, $0x3E8;
	v17 =	vld [tilespmem:s20+$0x0]  }
0x42: {  	v7 =	vadd.s32 $0x1, v13;
	v8 =	vadd.s32 $0x2, v13;
	[tilespmem:v4+s13+$0x0] =	vst.idx.msk vm4, v18;
	v14 =	vld [tilespmem:s24+$0x400];
	vm4 =	vmmov vm6  }
0x43: {  	p0 =	por !p0, !p0;
	s22 =	simm.s32 $0x1;
	v4 =	vadd.s32 $0x1, v15;
	v6 =	vadd.s32 $0x2, v15;
	[tilespmem:v3+s13+$0x0] =	vst.idx.msk vm8, v19;
	v11 =	vld [tilespmem:s28+$0x400]  }
0x44: {  	s18 =	sadd.s32 $0x40, s18;
	s22 =	simm.s32 @!p0 $0x0;
	v19 =	vadd.s32 $0x1, v3;
	v18 =	vld [tilespmem:s25+$0x80]  }
0x45: {  	_ =	sdelay $0x4  }
0x46: {  	[tilespmem:v12+s13+$0x0] =	vst.idx.msk vm5, v16  }
0x47: {  	[tilespmem:v15+s13+$0x0] =	vst.idx.msk vm6, v10;
	v12 =	vld [tilespmem:s19+$0x80]  }
0x48: {  	s17 =	sshll.u32 s22, $0x6;
	[tilespmem:v13+s13+$0x0] =	vst.idx.msk vm7, v17;
	v13 =	vld [tilespmem:s16+$0x80]  }
0x49: {  	s15 =	sadd.s32 s17, s15;
	v10 =	vld [tilespmem:s20+$0x80];
	[tilespmem:v2+s13+$0x0] =	vst.idx.msk vm3, v14  }
0x4a: {  	s24 =	sadd.s32 $0x30, s15;
	[tilespmem:v0+s13+$0x0] =	vst.idx.msk vm2, v11  }
0x4b: {  	v2 =	vld [tilespmem:s21+$0x400];
	s17 =	sadd.s32 $0x10, s15;
	s16 =	sor.u32 $0x100, s24;
	[tilespmem:v19+s13+$0x0] =	vst.idx.msk vm1, v18  }
0x4c: {  	v3 =	vadd.s32 $0x2, v3;
	vm3 =	vmmov vm5;
	s17 =	sor.u32 $0x100, s17;
	v14 =	vld [tilespmem:s16+$0x400];
	[tilespmem:v5+s13+$0x0] =	vst.idx.msk vm5, v12  }
0x4d: {  	vm6 =	vmmov vm6;
	s18 =	sadd.s32 $0x20, s15;
	s15 =	sor.u32 $0x100, s15;
	[tilespmem:v4+s13+$0x0] =	vst.idx.msk vm4, v13;
	v5 =	vld [tilespmem:s17+$0x400]  }
0x4e: {  	s25 =	sor.u32 $0x100, s18;
	[tilespmem:v7+s13+$0x0] =	vst.idx.msk vm7, v10;
	v0 =	vld [tilespmem:s15+$0x400]  }
0x4f: {  	v4 =	vld [tilespmem:s25+$0x400]  }
0x50: {  	[tilespmem:v1+s13+$0x0] =	vst.idx.msk vm0, v2  }
0x51: {  	[tilespmem:v3+s13+$0x0] =	vst.idx.msk vm1, v14  }
0x52: {  	[tilespmem:v9+s13+$0x0] =	vst.idx.msk vm3, v5  }
0x53: {  	[tilespmem:v6+s13+$0x0] =	vst.idx.msk vm6, v0  }
0x54: {  	[tilespmem:v8+s13+$0x0] =	vst.idx.msk vm7, v4  }
0x55: {  	[hbm4b:s5+s10] =	stream.strided.scatter [tilespmem:s13], [sflag:$0x1], $0xC00, s11, s10, $0x38;
	[tilespmem:$0x2000] =	vst v63  }
0x56: {  	_ =	swait.ge [sflag:s12], $0xC00  }
0x57: {  	[sflag:s12] =	ssyncset.done $0x0  }
0x58: {  	s26 =	simm.s32 $0x0;
	[sflag:s12] =	ssyncadd.s32 $0xFFFFF400  }
0x59: {  	[tilespmem:s26], [sflag:$0x1] =	stream.strided.gather [hbm4b:s6+s10], $0x400, s11, s10, $0x38;
	[tilespmem:$0x2000] =	vst v63  }
0x5a: {  	_ =	swait.ge [sflag:s12], $0x400  }
0x5b: {  	[sflag:s12] =	ssyncset.done $0x0  }
0x5c: {  	[sflag:s12] =	ssyncadd.s32 $0xFFFFFC00  }
0x5d: {  	[tilespmem:s11], [sflag:$0x1] =	stream.linear.gather [hbm4b:s7+s26], $0x1000, $0x38;
	[tilespmem:$0x2000] =	vst v63  }
0x5e: {  	s16 =	sand.u32 $0x40, s26;
	_ =	swait.ge [sflag:s12], $0x1000  }
0x5f: {  	s28 =	sand.u32 $0x380, s26;
	s29 =	sor.u32 $0x30, s16;
	[sflag:s12] =	ssyncset.done $0x0  }
0x60: {  	s31 =	sor.u32 $0x10, s16;
	s30 =	sor.u32 s29, s28;
	[sflag:s12] =	ssyncadd.s32 $0xFFFFF000  }
0x61: {  	s21 =	sor.u32 s31, s28;
	v0 =	vld [tilespmem:s30+$0x0]  }
0x62: {  	v1 =	vld [tilespmem:s21+$0x0]  }
0x63: {  	s22 =	sor.u32 $0x20, s16  }
0x64: {  	s17 =	sor.u32 s22, s28;
	s15 =	sand.u32 $0xE00, s26  }
0x65: {  	s24 =	simm.s32 $0x0;
	s15 =	sadd.s32 $0x400, s15;
	v2 =	vld [tilespmem:s17+$0x0]  }
0x66: {  	s23 =	sor.u32 s29, s15;
	v4 =	vld [tilespmem:s24+$0x0];
	v3 =	vmul.u32 $0x3, v0;
	vm0 =	vlt.s32 v0, $0x3E8  }
0x67: {  	s25 =	sor.u32 s31, s15;
	v0 =	vld [tilespmem:s23+$0x0];
	v5 =	vmul.u32 $0x3, v1;
	vm1 =	vlt.s32 v1, $0x3E8  }
0x68: {  	v1 =	vld [tilespmem:s25+$0x0];
	_ =	sdelay $0x1  }
0x69: {  	s28 =	simm.s32 $0x40;
	s26 =	sor.u32 s22, s15;
	v6 =	vmul.u32 $0x3, v2;
	vm6 =	vlt.s32 v2, $0x3E8  }
0x6a: {  	s20 =	sand.u32 $0x40, s28;
	s16 =	sor.u32 s16, s15;
	v2 =	vld [tilespmem:s26+$0x0]  }
0x6b: {  	s22 =	sor.u32 $0x10, s20;
	v8 =	vld [tilespmem:s16+$0x0];
	s17 =	sand.u32 $0x380, s28;
	vm4 =	vmmov vm0;
	[tilespmem:v3+s13+$0x0] =	vst.idx.msk vm0, v0  }
0x6c: {  	s29 =	sor.u32 s22, s17;
	v7 =	vadd.s32 $0x1, v3;
	[tilespmem:v5+s13+$0x0] =	vst.idx.msk vm1, v1;
	v1 =	vmul.u32 $0x3, v4;
	vm0 =	vlt.s32 v4, $0x3E8;
	v0 =	vld [tilespmem:s23+$0x80]  }
0x6d: {  	p0 =	por $0x0, $0x0;
	s15 =	simm.s32 $0x1;
	s21 =	sor.u32 $0x30, s20;
	v11 =	vld [tilespmem:s29+$0x0]  }
0x6e: {  	s15 =	simm.s32 @!p0 $0x0;
	v4 =	vld [tilespmem:s25+$0x80];
	s23 =	sor.u32 s21, s17  }
0x6f: {  	s31 =	sor.u32 $0x20, s20;
	s15 =	sshll.u32 s15, $0x6;
	[tilespmem:v6+s13+$0x0] =	vst.idx.msk vm6, v2;
	v10 =	vld [tilespmem:s23+$0x0]  }
0x70: {  	s18 =	sadd.s32 $0x0, s15;
	s15 =	simm.s32 $0x100;
	v9 =	vld [tilespmem:s26+$0x80];
	s17 =	sor.u32 s31, s17  }
0x71: {  	s30 =	sadd.s32 $0x30, s18;
	s24 =	sand.u32 $0xE00, s15;
	v13 =	vadd.s32 $0x1, v5;
	s26 =	simm.s32 $0x40;
	v14 =	vld [tilespmem:s17+$0x0];
	[tilespmem:v7+s13+$0x0] =	vst.idx.msk vm4, v0  }
0x72: {  	s28 =	sadd.s32 $0x400, s24;
	v2 =	vadd.s32 $0x2, v5;
	v5 =	vadd.s32 $0x1, v6;
	s25 =	sor.u32 $0x100, s30;
	[tilespmem:v1+s13+$0x0] =	vst.idx.msk vm0, v8;
	v8 =	vld [tilespmem:s26+$0x0]  }
0x73: {  	s24 =	sor.u32 s21, s28;
	v15 =	vadd.s32 $0x2, v3;
	v7 =	vld [tilespmem:s25+$0x400]  }
0x74: {  	vm5 =	vmmov vm7;
	s19 =	sor.u32 s22, s28;
	v19 =	vld [tilespmem:s24+$0x0];
	v3 =	vmul.u32 $0x3, v10;
	vm8 =	vlt.s32 v10, $0x3E8  }
0x75: {  	s29 =	sadd.s32 $0x10, s18;
	v16 =	vld [tilespmem:s19+$0x0];
	vm3 =	vmmov vm1;
	v12 =	vmul.u32 $0x3, v11;
	vm0 =	vmmov vm0  }
0x76: {  	vm5 =	vlt.s32 v11, $0x3E8;
	s30 =	sor.u32 $0x100, s29;
	v0 =	vadd.s32 $0x2, v6;
	v6 =	vadd.s32 $0x1, v1;
	[tilespmem:v13+s13+$0x0] =	vst.idx.msk vm1, v4;
	v18 =	vld [tilespmem:s16+$0x80]  }
0x77: {  	vm2 =	vmmov vm6;
	[tilespmem:v5+s13+$0x0] =	vst.idx.msk vm6, v9;
	s16 =	sor.u32 s20, s28;
	s20 =	sor.u32 s31, s28;
	v13 =	vmul.u32 $0x3, v14;
	vm7 =	vlt.s32 v14, $0x3E8;
	v14 =	vld [tilespmem:s30+$0x400]  }
0x78: {  	v1 =	vadd.s32 $0x2, v1;
	s31 =	sadd.s32 $0x20, s18;
	v17 =	vld [tilespmem:s20+$0x0];
	vm6 =	vlt.s32 v8, $0x3E8;
	[tilespmem:v15+s13+$0x0] =	vst.idx.msk vm4, v7;
	v15 =	vmul.u32 $0x3, v8  }
0x79: {  	p0 =	por !p0, !p0;
	s22 =	simm.s32 $0x1;
	v5 =	vadd.s32 $0x1, v12;
	v9 =	vadd.s32 $0x2, v12;
	v10 =	vld [tilespmem:s16+$0x0];
	vm1 =	vmmov vm8;
	s21 =	sor.u32 $0x100, s31  }
0x7a: {  	s22 =	simm.s32 @!p0 $0x0;
	v11 =	vld [tilespmem:s21+$0x400];
	v7 =	vadd.s32 $0x1, v13;
	v8 =	vadd.s32 $0x2, v13;
	vm4 =	vmmov vm6;
	[tilespmem:v3+s13+$0x0] =	vst.idx.msk vm8, v19  }
0x7b: {  	s17 =	simm.s32 $0x4;
	s21 =	sor.u32 $0x100, s18;
	s18 =	simm.s32 $0x80;
	[tilespmem:v6+s13+$0x0] =	vst.idx.msk vm0, v18;
	v19 =	vadd.s32 $0x1, v3;
	v4 =	vadd.s32 $0x1, v15;
	v6 =	vadd.s32 $0x2, v15;
	v18 =	vld [tilespmem:s24+$0x80]  }
.LBB2_4:
0x7c: {  	s23 =	sand.u32 $0x40, s18;
	s24 =	sand.u32 $0x380, s18;
	s17 =	sadd.s32 $0x4, s17;
	[tilespmem:v12+s13+$0x0] =	vst.idx.msk vm5, v16;
	v12 =	vld [tilespmem:s21+$0x400]  }
0x7d: {  	s21 =	sshll.u32 s22, $0x6;
	s25 =	sor.u32 $0x30, s23;
	p1 =	slt.u32 s17, $0x3C;
	v16 =	vld [tilespmem:s19+$0x80];
	[tilespmem:v13+s13+$0x0] =	vst.idx.msk vm7, v17  }
0x7e: {  	s19 =	sor.u32 $0x10, s23;
	s21 =	sadd.s32 s21, s15;
	s22 =	sor.u32 s25, s24;
	[tilespmem:v15+s13+$0x0] =	vst.idx.msk vm6, v10;
	v10 =	vld [tilespmem:s20+$0x80]  }
0x7f: {  	s26 =	sor.u32 $0x20, s23;
	s20 =	sor.u32 s19, s24;
	v13 =	vld [tilespmem:s22+$0x0];
	s22 =	sadd.s32 $0x30, s21;
	[tilespmem:v2+s13+$0x0] =	vst.idx.msk vm3, v14;
	v2 =	vmov v9;
	vm3 =	vmmov vm5  }
0x80: {  	v9 =	vld [tilespmem:s20+$0x0];
	s20 =	sor.u32 s26, s24;
	s24 =	sadd.s32 $0x10, s21;
	[tilespmem:v19+s13+$0x0] =	vst.idx.msk vm1, v18;
	s22 =	sor.u32 $0x100, s22  }
0x81: {  	s15 =	sadd.s32 $0x100, s15;
	s28 =	sadd.s32 $0x20, s21;
	v15 =	vadd.s32 $0x2, v3;
	s24 =	sor.u32 $0x100, s24;
	v14 =	vld [tilespmem:s22+$0x400];
	[tilespmem:v0+s13+$0x0] =	vst.idx.msk vm2, v11;
	v0 =	vmov v8;
	vm2 =	vmmov vm7  }
0x82: {  	s29 =	sand.u32 $0xE00, s15;
	s28 =	sor.u32 $0x100, s28;
	s22 =	sshra.s32 s15, $0x2;
	v8 =	vld [tilespmem:s20+$0x0];
	[tilespmem:v5+s13+$0x0] =	vst.idx.msk vm5, v16  }
0x83: {  	s21 =	sor.u32 $0x100, s21;
	s20 =	sadd.s32 $0x400, s29;
	v11 =	vld [tilespmem:s22+$0x0];
	[tilespmem:v7+s13+$0x0] =	vst.idx.msk vm7, v10  }
0x84: {  	s19 =	sor.u32 s19, s20;
	s25 =	sor.u32 s25, s20;
	v3 =	vmul.u32 $0x3, v13;
	vm8 =	vlt.s32 v13, $0x3E8;
	v18 =	vld [tilespmem:s16+$0x80];
	s16 =	sor.u32 s23, s20;
	[tilespmem:v1+s13+$0x0] =	vst.idx.msk vm0, v12;
	v1 =	vmovc v6;
	vm0 =	vmmov vm6  }
0x85: {  	s20 =	sor.u32 s26, s20;
	v12 =	vmul.u32 $0x3, v9;
	vm5 =	vlt.s32 v9, $0x3E8;
	v19 =	vld [tilespmem:s25+$0x0]  }
0x86: {  	v10 =	vld [tilespmem:s16+$0x0];
	[tilespmem:v15+s13+$0x0] =	vst.idx.msk vm1, v14;
	vm1 =	vmmov vm8  }
.Ltmp1:
0x87: {  	v16 =	vld [tilespmem:s19+$0x0];
	v5 =	vadd.s32 $0x1, v12;
	v13 =	vmul.u32 $0x3, v8;
	vm7 =	vlt.s32 v8, $0x3E8;
	(pc) =	sbr.rel @p1 .LBB2_4-.Ltmp1, $4  }
0x88: {  	v9 =	vadd.s32 $0x2, v12;
	v15 =	vmul.u32 $0x3, v11;
	vm6 =	vlt.s32 v11, $0x3E8;
	v17 =	vld [tilespmem:s20+$0x0]  }
0x89: {  	v7 =	vadd.s32 $0x1, v13;
	v8 =	vadd.s32 $0x2, v13;
	[tilespmem:v4+s13+$0x0] =	vst.idx.msk vm4, v18;
	v14 =	vld [tilespmem:s24+$0x400];
	vm4 =	vmmov vm6  }
0x8a: {  	p0 =	por !p0, !p0;
	s22 =	simm.s32 $0x1;
	v4 =	vadd.s32 $0x1, v15;
	v6 =	vadd.s32 $0x2, v15;
	[tilespmem:v3+s13+$0x0] =	vst.idx.msk vm8, v19;
	v11 =	vld [tilespmem:s28+$0x400]  }
0x8b: {  	s18 =	sadd.s32 $0x40, s18;
	s22 =	simm.s32 @!p0 $0x0;
	v19 =	vadd.s32 $0x1, v3;
	v18 =	vld [tilespmem:s25+$0x80]  }
0x8c: {  	_ =	sdelay $0x4  }
0x8d: {  	[tilespmem:v12+s13+$0x0] =	vst.idx.msk vm5, v16  }
0x8e: {  	[tilespmem:v15+s13+$0x0] =	vst.idx.msk vm6, v10;
	v12 =	vld [tilespmem:s19+$0x80]  }
0x8f: {  	s17 =	sshll.u32 s22, $0x6;
	[tilespmem:v13+s13+$0x0] =	vst.idx.msk vm7, v17;
	v59 =	vld [tilespmem:s16+$0x80]  }
0x90: {  	s15 =	sadd.s32 s17, s15;
	v58 =	vld [tilespmem:s20+$0x80]  }
0x91: {  	s30 =	sadd.s32 $0x30, s15;
	[tilespmem:v2+s13+$0x0] =	vst.idx.msk vm3, v14  }
0x92: {  	v60 =	vld [tilespmem:s21+$0x400];
	s17 =	sadd.s32 $0x10, s15;
	s16 =	sor.u32 $0x100, s30;
	[tilespmem:v19+s13+$0x0] =	vst.idx.msk vm1, v18  }
0x93: {  	vm13 =	vmmov vm5;
	v3 =	vadd.s32 $0x2, v3;
	s17 =	sor.u32 $0x100, s17;
	v61 =	vld [tilespmem:s16+$0x400];
	[tilespmem:v5+s13+$0x0] =	vst.idx.msk vm5, v12  }
0x94: {  	vm15 =	vmmov vm6;
	s18 =	sadd.s32 $0x20, s15;
	s15 =	sor.u32 $0x100, s15;
	[tilespmem:v4+s13+$0x0] =	vst.idx.msk vm4, v59;
	v5 =	vld [tilespmem:s17+$0x400]  }
0x95: {  	s31 =	sor.u32 $0x100, s18;
	[tilespmem:v7+s13+$0x0] =	vst.idx.msk vm7, v58;
	v63 =	vld [tilespmem:s15+$0x400]  }
0x96: {  	[tilespmem:v0+s13+$0x0] =	vst.idx.msk vm2, v11;
	v62 =	vld [tilespmem:s31+$0x400]  }
0x97: {  	[tilespmem:v1+s13+$0x0] =	vst.idx.msk vm0, v60  }
0x98: {  	[tilespmem:v3+s13+$0x0] =	vst.idx.msk vm1, v61  }
0x99: {  	s14 =	sadd.s32 $0x1, s14;
	[tilespmem:v9+s13+$0x0] =	vst.idx.msk vm13, v5  }
0x9a: {  	p0 =	sne.s32 s14, s9;
	[tilespmem:v6+s13+$0x0] =	vst.idx.msk vm15, v63  }
.Ltmp2:
0x9b: {  	[tilespmem:v8+s13+$0x0] =	vst.idx.msk vm7, v62;
	(pc) =	sbr.rel @p0 .LBB2_1-.Ltmp2, $4  }
0x9c: {  	[hbm4b:s8+s10] =	stream.strided.scatter [tilespmem:s13], [sflag:$0x1], $0xC00, s11, s10, $0x38;
	[tilespmem:$0x2000] =	vst v63  }
0x9d: {  	_ =	swait.ge [sflag:s12], $0xC00  }
0x9e: {  	[sflag:s12] =	ssyncset.done $0x0  }
0x9f: {  	vm14 =	vmmov vm7;
	[sflag:s12] =	ssyncadd.s32 $0xFFFFF400  }
0xa0: {  	_ =	sfence.sel $0x180000  }
0xa1: {  	[bflag:$0x0] =	sbarrier.arrive $0xFFFF  }
0xa2: {  	p0 =	sne.s32 s1, $0x0;
	_ =	strace $0x9000004A  }
0xa3: {  	s0 =	sadd.s32 @!p0 $0x100000, s0;
	[bflag:$0x2] =	sbarrier.arrive $0xFFFF  }
0xa4: {  	[sflag:s0] =	ssyncadd.tile.s32 @!p0 $0x1;
	_ =	shalt  }
.Lfunc_end2:
_tile_overlayer_lowered:
.L_overlay_start_2:
0xa5: {  	(tag) =	ssettag $0x2  }
0xa6: {  	s0 =	rddreg [dreg:$0x0];
	s2 =	stileid.u32  }
0xa7: {  	s1 =	rddreg [dreg:$0x1];
	p0 =	sne.s32 s2, $0x0  }
0xa8: {  	s3 =	rddreg [dreg:$0x2];
	[bflag:$0x3] =	sbarrier.arrive $0xFFFF;
	s2 =	simm.s32 @!p0 $0x1C01  }
0xa9: {  	[timem:s3], [sflag:s2] =	dma.local @!p0 [hbm:s0], s1  }
0xaa: {  	s0 =	simm.s32 @!p0 $0x1  }
0xab: {  	_ =	swait.ge @!p0 [sflag:s0], s1  }
0xac: {  	s1 =	ssub.s32 @!p0 $0x0, s1;
	[sflag:s0] =	ssyncset.done @!p0 $0x0  }
0xad: {  	[sflag:s0] =	ssyncadd.s32 @!p0 s1  }
0xae: {  	[bflag:$0x3] =	sbarrier.arrive $0xFFFF  }
0xaf: {  	_ =	shalt  }

</sc_bundles>
